<compile_context>
chip_gen: v7x
topology: tpu7x:2x2x1
jax: 0.10.2.dev20260603
libtpu: 0.0.44.dev20260713+nightly
codegen_flags: <defaults>
</compile_context>

<pallas_src>
import functools

import jax
import jax.numpy as jnp
from jax import lax
from jax.experimental import pallas as pl
from jax.experimental.pallas import tpu as pltpu
from jax.experimental.pallas import tpu_sc as plsc

NC = 2
NS = 16
NW = NC * NS

CW = 128
DEPTH = 13
AHEAD = DEPTH - 2


def _make_gather(B, D, chunks_per_w):
    b_per_w = chunks_per_w * CW
    mesh = plsc.VectorSubcoreMesh(core_axis_name="c", subcore_axis_name="s")

    @functools.partial(
        pl.kernel,
        out_type=jax.ShapeDtypeStruct((B, D), jnp.float32),
        mesh=mesh,
        scratch_types=(
            [pltpu.VMEM((chunks_per_w, CW), jnp.int32)]
            + [pltpu.VMEM((CW, D), jnp.float32) for _ in range(DEPTH)]
            + [pltpu.SemaphoreType.DMA for _ in range(2 * DEPTH)]
        ),
        compiler_params=pltpu.CompilerParams(use_tc_tiling_on_sc=False),
    )
    def k(table_hbm, idx_hbm, out_hbm, idx_v, *bufs):
        rows = bufs[:DEPTH]
        gsem = bufs[DEPTH:2 * DEPTH]
        wsem = bufs[2 * DEPTH:]
        wid = lax.axis_index("s") * NC + lax.axis_index("c")
        base = wid * b_per_w
        pltpu.sync_copy(idx_hbm.at[wid], idx_v)

        def start_gather(q, s):
            pltpu.async_copy(table_hbm.at[idx_v.at[q]], rows[s], gsem[s])

        def wait_gather(q, s):
            pltpu.make_async_copy(table_hbm.at[idx_v.at[q]], rows[s], gsem[s]).wait()

        def start_write(q, s):
            pltpu.async_copy(rows[s], out_hbm.at[pl.ds(base + q * CW, CW)], wsem[s])

        def wait_write(q, s):
            pltpu.make_async_copy(
                rows[s], out_hbm.at[pl.ds(base + q * CW, CW)], wsem[s]).wait()

        for b in range(AHEAD):
            start_gather(b, b)

        @pl.loop(0, chunks_per_w, step=DEPTH)
        def _group(g):
            for b in range(DEPTH):
                q = g + b
                s = b
                wait_gather(q, s)
                start_write(q, s)
                sf = (b + AHEAD) % DEPTH

                @pl.when(q + AHEAD < chunks_per_w)
                def _refill():
                    @pl.when(q + AHEAD >= DEPTH)
                    def _drain():
                        wait_write(q + AHEAD - DEPTH, sf)
                    start_gather(q + AHEAD, sf)

        for i in range(DEPTH):
            q = chunks_per_w - DEPTH + i
            wait_write(q, q % DEPTH)

    return k


@jax.jit
def kernel(sparse_table, indices):
    n0, n1 = indices.shape
    D = sparse_table.shape[1]
    B = n0 * n1
    chunks_per_w = B // (NW * CW)
    idx = indices.reshape(NW, chunks_per_w, CW).astype(jnp.int32)
    out = _make_gather(B, D, chunks_per_w)(sparse_table, idx)
    return out.reshape(n0, n1, D)

# --- scband reference (transcript-rebuilt; emitter-appended) ---
"""Pipeline reference for scband-embedding-69698729279504 (READ-ONLY COPY).

The authoritative reference and input builder live on the scoring server;
editing this copy changes nothing except your own understanding.
"""

import jax, jax.numpy as jnp
import numpy as np

VOCAB = 1000000
DIM = 64

def setup_inputs(seed: int = 0) -> dict:
    key = jax.random.key(seed)
    k_idx, k_tab = jax.random.split(key)
    indices = jax.random.randint(k_idx, (16384, 26), 0, VOCAB, dtype=jnp.int64 if jax.config.jax_enable_x64 else jnp.int32)
    # sparse_table parameter: NormalInitializer -> standard normal init
    sparse_table = jax.random.normal(k_tab, (VOCAB, DIM), dtype=jnp.float32)
    return {"sparse_table": sparse_table, "indices": indices}

def reference(sparse_table, indices):
    # kraken_native.pull_sparse_table(table_id, indices) == row gather from the table
    return jnp.take(sparse_table, indices, axis=0)

if __name__ == "__main__":
    import jax
    _d = setup_inputs()
    print(jax.jit(kernel)(*tuple(_d.values())))

</pallas_src>

<mosaic_0001>
#map = affine_map<(d0, d1) -> (0, 0)>
#map1 = affine_map<(d0, d1) -> (0, 0, 0)>
module attributes {stable_mosaic.version = 14 : i64} {
  func.func @k(%arg0: i32, %arg1: i32, %arg2: memref<1000000x64xf32, #tpu.memory_space<hbm>>, %arg3: memref<32x104x128xi32, #tpu.memory_space<hbm>>, %arg4: memref<425984x64xf32, #tpu.memory_space<hbm>>, %arg5: memref<104x128xi32, #tpu.memory_space<vmem>>, %arg6: memref<128x64xf32, #tpu.memory_space<vmem>>, %arg7: memref<128x64xf32, #tpu.memory_space<vmem>>, %arg8: memref<128x64xf32, #tpu.memory_space<vmem>>, %arg9: memref<128x64xf32, #tpu.memory_space<vmem>>, %arg10: memref<128x64xf32, #tpu.memory_space<vmem>>, %arg11: memref<128x64xf32, #tpu.memory_space<vmem>>, %arg12: memref<128x64xf32, #tpu.memory_space<vmem>>, %arg13: memref<128x64xf32, #tpu.memory_space<vmem>>, %arg14: memref<128x64xf32, #tpu.memory_space<vmem>>, %arg15: memref<128x64xf32, #tpu.memory_space<vmem>>, %arg16: memref<128x64xf32, #tpu.memory_space<vmem>>, %arg17: memref<128x64xf32, #tpu.memory_space<vmem>>, %arg18: memref<128x64xf32, #tpu.memory_space<vmem>>, %arg19: memref<!tpu.dma_semaphore, #tpu.memory_space<semaphore_mem>>, %arg20: memref<!tpu.dma_semaphore, #tpu.memory_space<semaphore_mem>>, %arg21: memref<!tpu.dma_semaphore, #tpu.memory_space<semaphore_mem>>, %arg22: memref<!tpu.dma_semaphore, #tpu.memory_space<semaphore_mem>>, %arg23: memref<!tpu.dma_semaphore, #tpu.memory_space<semaphore_mem>>, %arg24: memref<!tpu.dma_semaphore, #tpu.memory_space<semaphore_mem>>, %arg25: memref<!tpu.dma_semaphore, #tpu.memory_space<semaphore_mem>>, %arg26: memref<!tpu.dma_semaphore, #tpu.memory_space<semaphore_mem>>, %arg27: memref<!tpu.dma_semaphore, #tpu.memory_space<semaphore_mem>>, %arg28: memref<!tpu.dma_semaphore, #tpu.memory_space<semaphore_mem>>, %arg29: memref<!tpu.dma_semaphore, #tpu.memory_space<semaphore_mem>>, %arg30: memref<!tpu.dma_semaphore, #tpu.memory_space<semaphore_mem>>, %arg31: memref<!tpu.dma_semaphore, #tpu.memory_space<semaphore_mem>>, %arg32: memref<!tpu.dma_semaphore, #tpu.memory_space<semaphore_mem>>, %arg33: memref<!tpu.dma_semaphore, #tpu.memory_space<semaphore_mem>>, %arg34: memref<!tpu.dma_semaphore, #tpu.memory_space<semaphore_mem>>, %arg35: memref<!tpu.dma_semaphore, #tpu.memory_space<semaphore_mem>>, %arg36: memref<!tpu.dma_semaphore, #tpu.memory_space<semaphore_mem>>, %arg37: memref<!tpu.dma_semaphore, #tpu.memory_space<semaphore_mem>>, %arg38: memref<!tpu.dma_semaphore, #tpu.memory_space<semaphore_mem>>, %arg39: memref<!tpu.dma_semaphore, #tpu.memory_space<semaphore_mem>>, %arg40: memref<!tpu.dma_semaphore, #tpu.memory_space<semaphore_mem>>, %arg41: memref<!tpu.dma_semaphore, #tpu.memory_space<semaphore_mem>>, %arg42: memref<!tpu.dma_semaphore, #tpu.memory_space<semaphore_mem>>, %arg43: memref<!tpu.dma_semaphore, #tpu.memory_space<semaphore_mem>>, %arg44: memref<!tpu.dma_semaphore, #tpu.memory_space<semaphore_mem>>) attributes {dimension_semantics = [#tpu.dimension_semantics<core_parallel>, #tpu.dimension_semantics<subcore_parallel>], iteration_bounds = array<i64: 2, 16>, scalar_prefetch = 0 : i64, scratch_operands = 40 : i64, tpu.core_type = #tpu.core_type<sc_vector_subcore>, window_params = [{transform_indices = #map}, {transform_indices = #map1}, {transform_indices = #map}]} {
    %mul3A = arith.constant 2 : i32
    %mul3A_0 = arith.muli %arg1, %mul3A : i32
    %add3A = arith.addi %mul3A_0, %arg0 : i32
    %mul3A_1 = arith.constant 13312 : i32
    %mul3A_2 = arith.muli %add3A, %mul3A_1 : i32
    "tpu.region"() ({
      %run_scoped3A = tpu.sem_alloc : memref<!tpu.dma_semaphore, #tpu.memory_space<semaphore_mem>>
      %dma_start3A_160 = arith.constant 0 : i32
      %dma_start3A_161 = arith.constant 0 : i32
      %dma_start3A_162 = tpu.memref_slice %arg3[%add3A, %dma_start3A_160, %dma_start3A_161] : memref<32x104x128xi32, #tpu.memory_space<hbm>> -> memref<1x104x128xi32, #tpu.memory_space<hbm>>
      %dma_start3A_163 = tpu.memref_squeeze %dma_start3A_162 : memref<1x104x128xi32, #tpu.memory_space<hbm>> -> memref<104x128xi32, #tpu.memory_space<hbm>>
      %dma_start3A_164 = arith.constant 0 : i32
      %dma_start3A_165 = arith.constant 0 : i32
      %dma_start3A_166 = tpu.memref_slice %arg3[%add3A, %dma_start3A_164, %dma_start3A_165] : memref<32x104x128xi32, #tpu.memory_space<hbm>> -> memref<1x104x128xi32, #tpu.memory_space<hbm>>
      %dma_start3A_167 = tpu.memref_squeeze %dma_start3A_166 : memref<1x104x128xi32, #tpu.memory_space<hbm>> -> memref<104x128xi32, #tpu.memory_space<hbm>>
      tpu.enqueue_dma source(%dma_start3A_167 : memref<104x128xi32, #tpu.memory_space<hbm>>) target(%arg5 : memref<104x128xi32, #tpu.memory_space<vmem>>) target_semaphore(%run_scoped3A : memref<!tpu.dma_semaphore, #tpu.memory_space<semaphore_mem>>)
      %dma_wait3A_168 = arith.constant 0 : i32
      %dma_wait3A_169 = arith.constant 0 : i32
      %dma_wait3A_170 = tpu.memref_slice %arg3[%add3A, %dma_wait3A_168, %dma_wait3A_169] : memref<32x104x128xi32, #tpu.memory_space<hbm>> -> memref<1x104x128xi32, #tpu.memory_space<hbm>>
      %dma_wait3A_171 = tpu.memref_squeeze %dma_wait3A_170 : memref<1x104x128xi32, #tpu.memory_space<hbm>> -> memref<104x128xi32, #tpu.memory_space<hbm>>
      %dma_wait3A_172 = arith.constant 0 : i32
      %dma_wait3A_173 = arith.constant 0 : i32
      %dma_wait3A_174 = tpu.memref_slice %arg3[%add3A, %dma_wait3A_172, %dma_wait3A_173] : memref<32x104x128xi32, #tpu.memory_space<hbm>> -> memref<1x104x128xi32, #tpu.memory_space<hbm>>
      %dma_wait3A_175 = tpu.memref_squeeze %dma_wait3A_174 : memref<1x104x128xi32, #tpu.memory_space<hbm>> -> memref<104x128xi32, #tpu.memory_space<hbm>>
      tpu.wait_dma2 semaphore(%run_scoped3A : memref<!tpu.dma_semaphore, #tpu.memory_space<semaphore_mem>>) src(%dma_wait3A_175 : memref<104x128xi32, #tpu.memory_space<hbm>>) dst(%arg5 : memref<104x128xi32, #tpu.memory_space<vmem>>)
      tpu.yield
    }) : () -> ()
    %dma_start3A = arith.constant 0 : i32
    %dma_start3A_3 = arith.constant 0 : i32
    %dma_start3A_4 = tpu.memref_slice %arg5[%dma_start3A, %dma_start3A_3] : memref<104x128xi32, #tpu.memory_space<vmem>> -> memref<1x128xi32, #tpu.memory_space<vmem>>
    %dma_start3A_5 = tpu.memref_squeeze %dma_start3A_4 : memref<1x128xi32, #tpu.memory_space<vmem>> -> memref<128xi32, #tpu.memory_space<vmem>>
    %dma_start3A_6 = arith.constant 0 : i32
    %dma_start3A_7 = arith.constant 0 : i32
    %dma_start3A_8 = tpu.memref_slice %arg2[%dma_start3A_6, %dma_start3A_7] : memref<1000000x64xf32, #tpu.memory_space<hbm>> -> memref<1000000x64xf32, #tpu.memory_space<hbm>>
    tpu.enqueue_indirect_dma source(%dma_start3A_8 : memref<1000000x64xf32, #tpu.memory_space<hbm>>) target(%arg6 : memref<128x64xf32, #tpu.memory_space<vmem>>) offsets(%dma_start3A_5 : memref<128xi32, #tpu.memory_space<vmem>>) semaphore(%arg19 : memref<!tpu.dma_semaphore, #tpu.memory_space<semaphore_mem>>)
    %dma_start3A_9 = arith.constant 1 : i32
    %dma_start3A_10 = arith.constant 0 : i32
    %dma_start3A_11 = tpu.memref_slice %arg5[%dma_start3A_9, %dma_start3A_10] : memref<104x128xi32, #tpu.memory_space<vmem>> -> memref<1x128xi32, #tpu.memory_space<vmem>>
    %dma_start3A_12 = tpu.memref_squeeze %dma_start3A_11 : memref<1x128xi32, #tpu.memory_space<vmem>> -> memref<128xi32, #tpu.memory_space<vmem>>
    %dma_start3A_13 = arith.constant 0 : i32
    %dma_start3A_14 = arith.constant 0 : i32
    %dma_start3A_15 = tpu.memref_slice %arg2[%dma_start3A_13, %dma_start3A_14] : memref<1000000x64xf32, #tpu.memory_space<hbm>> -> memref<1000000x64xf32, #tpu.memory_space<hbm>>
    tpu.enqueue_indirect_dma source(%dma_start3A_15 : memref<1000000x64xf32, #tpu.memory_space<hbm>>) target(%arg7 : memref<128x64xf32, #tpu.memory_space<vmem>>) offsets(%dma_start3A_12 : memref<128xi32, #tpu.memory_space<vmem>>) semaphore(%arg20 : memref<!tpu.dma_semaphore, #tpu.memory_space<semaphore_mem>>)
    %dma_start3A_16 = arith.constant 2 : i32
    %dma_start3A_17 = arith.constant 0 : i32
    %dma_start3A_18 = tpu.memref_slice %arg5[%dma_start3A_16, %dma_start3A_17] : memref<104x128xi32, #tpu.memory_space<vmem>> -> memref<1x128xi32, #tpu.memory_space<vmem>>
    %dma_start3A_19 = tpu.memref_squeeze %dma_start3A_18 : memref<1x128xi32, #tpu.memory_space<vmem>> -> memref<128xi32, #tpu.memory_space<vmem>>
    %dma_start3A_20 = arith.constant 0 : i32
    %dma_start3A_21 = arith.constant 0 : i32
    %dma_start3A_22 = tpu.memref_slice %arg2[%dma_start3A_20, %dma_start3A_21] : memref<1000000x64xf32, #tpu.memory_space<hbm>> -> memref<1000000x64xf32, #tpu.memory_space<hbm>>
    tpu.enqueue_indirect_dma source(%dma_start3A_22 : memref<1000000x64xf32, #tpu.memory_space<hbm>>) target(%arg8 : memref<128x64xf32, #tpu.memory_space<vmem>>) offsets(%dma_start3A_19 : memref<128xi32, #tpu.memory_space<vmem>>) semaphore(%arg21 : memref<!tpu.dma_semaphore, #tpu.memory_space<semaphore_mem>>)
    %dma_start3A_23 = arith.constant 3 : i32
    %dma_start3A_24 = arith.constant 0 : i32
    %dma_start3A_25 = tpu.memref_slice %arg5[%dma_start3A_23, %dma_start3A_24] : memref<104x128xi32, #tpu.memory_space<vmem>> -> memref<1x128xi32, #tpu.memory_space<vmem>>
    %dma_start3A_26 = tpu.memref_squeeze %dma_start3A_25 : memref<1x128xi32, #tpu.memory_space<vmem>> -> memref<128xi32, #tpu.memory_space<vmem>>
    %dma_start3A_27 = arith.constant 0 : i32
    %dma_start3A_28 = arith.constant 0 : i32
    %dma_start3A_29 = tpu.memref_slice %arg2[%dma_start3A_27, %dma_start3A_28] : memref<1000000x64xf32, #tpu.memory_space<hbm>> -> memref<1000000x64xf32, #tpu.memory_space<hbm>>
    tpu.enqueue_indirect_dma source(%dma_start3A_29 : memref<1000000x64xf32, #tpu.memory_space<hbm>>) target(%arg9 : memref<128x64xf32, #tpu.memory_space<vmem>>) offsets(%dma_start3A_26 : memref<128xi32, #tpu.memory_space<vmem>>) semaphore(%arg22 : memref<!tpu.dma_semaphore, #tpu.memory_space<semaphore_mem>>)
    %dma_start3A_30 = arith.constant 4 : i32
    %dma_start3A_31 = arith.constant 0 : i32
    %dma_start3A_32 = tpu.memref_slice %arg5[%dma_start3A_30, %dma_start3A_31] : memref<104x128xi32, #tpu.memory_space<vmem>> -> memref<1x128xi32, #tpu.memory_space<vmem>>
    %dma_start3A_33 = tpu.memref_squeeze %dma_start3A_32 : memref<1x128xi32, #tpu.memory_space<vmem>> -> memref<128xi32, #tpu.memory_space<vmem>>
    %dma_start3A_34 = arith.constant 0 : i32
    %dma_start3A_35 = arith.constant 0 : i32
    %dma_start3A_36 = tpu.memref_slice %arg2[%dma_start3A_34, %dma_start3A_35] : memref<1000000x64xf32, #tpu.memory_space<hbm>> -> memref<1000000x64xf32, #tpu.memory_space<hbm>>
    tpu.enqueue_indirect_dma source(%dma_start3A_36 : memref<1000000x64xf32, #tpu.memory_space<hbm>>) target(%arg10 : memref<128x64xf32, #tpu.memory_space<vmem>>) offsets(%dma_start3A_33 : memref<128xi32, #tpu.memory_space<vmem>>) semaphore(%arg23 : memref<!tpu.dma_semaphore, #tpu.memory_space<semaphore_mem>>)
    %dma_start3A_37 = arith.constant 5 : i32
    %dma_start3A_38 = arith.constant 0 : i32
    %dma_start3A_39 = tpu.memref_slice %arg5[%dma_start3A_37, %dma_start3A_38] : memref<104x128xi32, #tpu.memory_space<vmem>> -> memref<1x128xi32, #tpu.memory_space<vmem>>
    %dma_start3A_40 = tpu.memref_squeeze %dma_start3A_39 : memref<1x128xi32, #tpu.memory_space<vmem>> -> memref<128xi32, #tpu.memory_space<vmem>>
    %dma_start3A_41 = arith.constant 0 : i32
    %dma_start3A_42 = arith.constant 0 : i32
    %dma_start3A_43 = tpu.memref_slice %arg2[%dma_start3A_41, %dma_start3A_42] : memref<1000000x64xf32, #tpu.memory_space<hbm>> -> memref<1000000x64xf32, #tpu.memory_space<hbm>>
    tpu.enqueue_indirect_dma source(%dma_start3A_43 : memref<1000000x64xf32, #tpu.memory_space<hbm>>) target(%arg11 : memref<128x64xf32, #tpu.memory_space<vmem>>) offsets(%dma_start3A_40 : memref<128xi32, #tpu.memory_space<vmem>>) semaphore(%arg24 : memref<!tpu.dma_semaphore, #tpu.memory_space<semaphore_mem>>)
    %dma_start3A_44 = arith.constant 6 : i32
    %dma_start3A_45 = arith.constant 0 : i32
    %dma_start3A_46 = tpu.memref_slice %arg5[%dma_start3A_44, %dma_start3A_45] : memref<104x128xi32, #tpu.memory_space<vmem>> -> memref<1x128xi32, #tpu.memory_space<vmem>>
    %dma_start3A_47 = tpu.memref_squeeze %dma_start3A_46 : memref<1x128xi32, #tpu.memory_space<vmem>> -> memref<128xi32, #tpu.memory_space<vmem>>
    %dma_start3A_48 = arith.constant 0 : i32
    %dma_start3A_49 = arith.constant 0 : i32
    %dma_start3A_50 = tpu.memref_slice %arg2[%dma_start3A_48, %dma_start3A_49] : memref<1000000x64xf32, #tpu.memory_space<hbm>> -> memref<1000000x64xf32, #tpu.memory_space<hbm>>
    tpu.enqueue_indirect_dma source(%dma_start3A_50 : memref<1000000x64xf32, #tpu.memory_space<hbm>>) target(%arg12 : memref<128x64xf32, #tpu.memory_space<vmem>>) offsets(%dma_start3A_47 : memref<128xi32, #tpu.memory_space<vmem>>) semaphore(%arg25 : memref<!tpu.dma_semaphore, #tpu.memory_space<semaphore_mem>>)
    %dma_start3A_51 = arith.constant 7 : i32
    %dma_start3A_52 = arith.constant 0 : i32
    %dma_start3A_53 = tpu.memref_slice %arg5[%dma_start3A_51, %dma_start3A_52] : memref<104x128xi32, #tpu.memory_space<vmem>> -> memref<1x128xi32, #tpu.memory_space<vmem>>
    %dma_start3A_54 = tpu.memref_squeeze %dma_start3A_53 : memref<1x128xi32, #tpu.memory_space<vmem>> -> memref<128xi32, #tpu.memory_space<vmem>>
    %dma_start3A_55 = arith.constant 0 : i32
    %dma_start3A_56 = arith.constant 0 : i32
    %dma_start3A_57 = tpu.memref_slice %arg2[%dma_start3A_55, %dma_start3A_56] : memref<1000000x64xf32, #tpu.memory_space<hbm>> -> memref<1000000x64xf32, #tpu.memory_space<hbm>>
    tpu.enqueue_indirect_dma source(%dma_start3A_57 : memref<1000000x64xf32, #tpu.memory_space<hbm>>) target(%arg13 : memref<128x64xf32, #tpu.memory_space<vmem>>) offsets(%dma_start3A_54 : memref<128xi32, #tpu.memory_space<vmem>>) semaphore(%arg26 : memref<!tpu.dma_semaphore, #tpu.memory_space<semaphore_mem>>)
    %dma_start3A_58 = arith.constant 8 : i32
    %dma_start3A_59 = arith.constant 0 : i32
    %dma_start3A_60 = tpu.memref_slice %arg5[%dma_start3A_58, %dma_start3A_59] : memref<104x128xi32, #tpu.memory_space<vmem>> -> memref<1x128xi32, #tpu.memory_space<vmem>>
    %dma_start3A_61 = tpu.memref_squeeze %dma_start3A_60 : memref<1x128xi32, #tpu.memory_space<vmem>> -> memref<128xi32, #tpu.memory_space<vmem>>
    %dma_start3A_62 = arith.constant 0 : i32
    %dma_start3A_63 = arith.constant 0 : i32
    %dma_start3A_64 = tpu.memref_slice %arg2[%dma_start3A_62, %dma_start3A_63] : memref<1000000x64xf32, #tpu.memory_space<hbm>> -> memref<1000000x64xf32, #tpu.memory_space<hbm>>
    tpu.enqueue_indirect_dma source(%dma_start3A_64 : memref<1000000x64xf32, #tpu.memory_space<hbm>>) target(%arg14 : memref<128x64xf32, #tpu.memory_space<vmem>>) offsets(%dma_start3A_61 : memref<128xi32, #tpu.memory_space<vmem>>) semaphore(%arg27 : memref<!tpu.dma_semaphore, #tpu.memory_space<semaphore_mem>>)
    %dma_start3A_65 = arith.constant 9 : i32
    %dma_start3A_66 = arith.constant 0 : i32
    %dma_start3A_67 = tpu.memref_slice %arg5[%dma_start3A_65, %dma_start3A_66] : memref<104x128xi32, #tpu.memory_space<vmem>> -> memref<1x128xi32, #tpu.memory_space<vmem>>
    %dma_start3A_68 = tpu.memref_squeeze %dma_start3A_67 : memref<1x128xi32, #tpu.memory_space<vmem>> -> memref<128xi32, #tpu.memory_space<vmem>>
    %dma_start3A_69 = arith.constant 0 : i32
    %dma_start3A_70 = arith.constant 0 : i32
    %dma_start3A_71 = tpu.memref_slice %arg2[%dma_start3A_69, %dma_start3A_70] : memref<1000000x64xf32, #tpu.memory_space<hbm>> -> memref<1000000x64xf32, #tpu.memory_space<hbm>>
    tpu.enqueue_indirect_dma source(%dma_start3A_71 : memref<1000000x64xf32, #tpu.memory_space<hbm>>) target(%arg15 : memref<128x64xf32, #tpu.memory_space<vmem>>) offsets(%dma_start3A_68 : memref<128xi32, #tpu.memory_space<vmem>>) semaphore(%arg28 : memref<!tpu.dma_semaphore, #tpu.memory_space<semaphore_mem>>)
    %dma_start3A_72 = arith.constant 10 : i32
    %dma_start3A_73 = arith.constant 0 : i32
    %dma_start3A_74 = tpu.memref_slice %arg5[%dma_start3A_72, %dma_start3A_73] : memref<104x128xi32, #tpu.memory_space<vmem>> -> memref<1x128xi32, #tpu.memory_space<vmem>>
    %dma_start3A_75 = tpu.memref_squeeze %dma_start3A_74 : memref<1x128xi32, #tpu.memory_space<vmem>> -> memref<128xi32, #tpu.memory_space<vmem>>
    %dma_start3A_76 = arith.constant 0 : i32
    %dma_start3A_77 = arith.constant 0 : i32
    %dma_start3A_78 = tpu.memref_slice %arg2[%dma_start3A_76, %dma_start3A_77] : memref<1000000x64xf32, #tpu.memory_space<hbm>> -> memref<1000000x64xf32, #tpu.memory_space<hbm>>
    tpu.enqueue_indirect_dma source(%dma_start3A_78 : memref<1000000x64xf32, #tpu.memory_space<hbm>>) target(%arg16 : memref<128x64xf32, #tpu.memory_space<vmem>>) offsets(%dma_start3A_75 : memref<128xi32, #tpu.memory_space<vmem>>) semaphore(%arg29 : memref<!tpu.dma_semaphore, #tpu.memory_space<semaphore_mem>>)
    %scan3A = arith.constant 0 : i32
    %scan3A_79 = arith.constant 8 : i32
    %scan3A_80 = arith.addi %scan3A, %scan3A_79 : i32
    %scan3A_81 = arith.constant 1 : i32
    scf.for %scan3A_160 = %scan3A to %scan3A_80 step %scan3A_81  : i32 {
      %mul3A_161 = arith.constant 13 : i32
      %mul3A_162 = arith.muli %scan3A_160, %mul3A_161 : i32
      %add3A_163 = arith.constant 0 : i32
      %add3A_164 = arith.addi %add3A_163, %mul3A_162 : i32
      %add3A_165 = arith.constant 0 : i32
      %add3A_166 = arith.addi %add3A_164, %add3A_165 : i32
      %dma_wait3A_167 = arith.constant 0 : i32
      %dma_wait3A_168 = tpu.memref_slice %arg5[%add3A_166, %dma_wait3A_167] : memref<104x128xi32, #tpu.memory_space<vmem>> -> memref<1x128xi32, #tpu.memory_space<vmem>>
      %dma_wait3A_169 = tpu.memref_squeeze %dma_wait3A_168 : memref<1x128xi32, #tpu.memory_space<vmem>> -> memref<128xi32, #tpu.memory_space<vmem>>
      %dma_wait3A_170 = arith.constant 0 : i32
      %dma_wait3A_171 = arith.constant 0 : i32
      %dma_wait3A_172 = tpu.memref_slice %arg2[%dma_wait3A_170, %dma_wait3A_171] : memref<1000000x64xf32, #tpu.memory_space<hbm>> -> memref<1000000x64xf32, #tpu.memory_space<hbm>>
      tpu.wait_indirect_dma semaphore(%arg19 : memref<!tpu.dma_semaphore, #tpu.memory_space<semaphore_mem>>) src(%dma_wait3A_172 : memref<1000000x64xf32, #tpu.memory_space<hbm>>) dst(%arg6 : memref<128x64xf32, #tpu.memory_space<vmem>>)
      %mul3A_173 = arith.constant 128 : i32
      %mul3A_174 = arith.muli %add3A_166, %mul3A_173 : i32
      %add3A_175 = arith.addi %mul3A_2, %mul3A_174 : i32
      %dma_start3A_176 = arith.constant 0 : i32
      %dma_start3A_177 = tpu.memref_slice %arg4[%add3A_175, %dma_start3A_176] : memref<425984x64xf32, #tpu.memory_space<hbm>> -> memref<128x64xf32, #tpu.memory_space<hbm>>
      %dma_start3A_178 = arith.constant 0 : i32
      %dma_start3A_179 = tpu.memref_slice %arg4[%add3A_175, %dma_start3A_178] : memref<425984x64xf32, #tpu.memory_space<hbm>> -> memref<128x64xf32, #tpu.memory_space<hbm>>
      tpu.enqueue_dma source(%arg6 : memref<128x64xf32, #tpu.memory_space<vmem>>) target(%dma_start3A_179 : memref<128x64xf32, #tpu.memory_space<hbm>>) target_semaphore(%arg32 : memref<!tpu.dma_semaphore, #tpu.memory_space<semaphore_mem>>)
      %add3A_180 = arith.constant 11 : i32
      %add3A_181 = arith.addi %add3A_166, %add3A_180 : i32
      %lt3A = arith.constant 104 : i32
      %lt3A_182 = arith.cmpi slt, %add3A_181, %lt3A : i32
      %convert_element_type3A = arith.extui %lt3A_182 : i1 to i32
      %cond3A = arith.constant 0 : i32
      %cond3A_183 = arith.cmpi ne, %convert_element_type3A, %cond3A : i32
      scf.if %cond3A_183 {
        %add3A_448 = arith.constant 11 : i32
        %add3A_449 = arith.addi %add3A_166, %add3A_448 : i32
        %ge3A = arith.constant 13 : i32
        %ge3A_450 = arith.cmpi sge, %add3A_449, %ge3A : i32
        %convert_element_type3A_451 = arith.extui %ge3A_450 : i1 to i32
        %cond3A_452 = arith.constant 0 : i32
        %cond3A_453 = arith.cmpi ne, %convert_element_type3A_451, %cond3A_452 : i32
        scf.if %cond3A_453 {
          %add3A_462 = arith.constant 11 : i32
          %add3A_463 = arith.addi %add3A_166, %add3A_462 : i32
          %sub3A = arith.constant 13 : i32
          %sub3A_464 = arith.subi %add3A_463, %sub3A : i32
          %mul3A_465 = arith.constant 128 : i32
          %mul3A_466 = arith.muli %sub3A_464, %mul3A_465 : i32
          %add3A_467 = arith.addi %mul3A_2, %mul3A_466 : i32
          %dma_wait3A_468 = arith.constant 0 : i32
          %dma_wait3A_469 = tpu.memref_slice %arg4[%add3A_467, %dma_wait3A_468] : memref<425984x64xf32, #tpu.memory_space<hbm>> -> memref<128x64xf32, #tpu.memory_space<hbm>>
          %dma_wait3A_470 = arith.constant 0 : i32
          %dma_wait3A_471 = tpu.memref_slice %arg4[%add3A_467, %dma_wait3A_470] : memref<425984x64xf32, #tpu.memory_space<hbm>> -> memref<128x64xf32, #tpu.memory_space<hbm>>
          tpu.wait_dma2 semaphore(%arg43 : memref<!tpu.dma_semaphore, #tpu.memory_space<semaphore_mem>>) src(%arg17 : memref<128x64xf32, #tpu.memory_space<vmem>>) dst(%dma_wait3A_471 : memref<128x64xf32, #tpu.memory_space<hbm>>)
        } else {
        }
        %add3A_454 = arith.constant 11 : i32
        %add3A_455 = arith.addi %add3A_166, %add3A_454 : i32
        %dma_start3A_456 = arith.constant 0 : i32
        %dma_start3A_457 = tpu.memref_slice %arg5[%add3A_455, %dma_start3A_456] : memref<104x128xi32, #tpu.memory_space<vmem>> -> memref<1x128xi32, #tpu.memory_space<vmem>>
        %dma_start3A_458 = tpu.memref_squeeze %dma_start3A_457 : memref<1x128xi32, #tpu.memory_space<vmem>> -> memref<128xi32, #tpu.memory_space<vmem>>
        %dma_start3A_459 = arith.constant 0 : i32
        %dma_start3A_460 = arith.constant 0 : i32
        %dma_start3A_461 = tpu.memref_slice %arg2[%dma_start3A_459, %dma_start3A_460] : memref<1000000x64xf32, #tpu.memory_space<hbm>> -> memref<1000000x64xf32, #tpu.memory_space<hbm>>
        tpu.enqueue_indirect_dma source(%dma_start3A_461 : memref<1000000x64xf32, #tpu.memory_space<hbm>>) target(%arg17 : memref<128x64xf32, #tpu.memory_space<vmem>>) offsets(%dma_start3A_458 : memref<128xi32, #tpu.memory_space<vmem>>) semaphore(%arg30 : memref<!tpu.dma_semaphore, #tpu.memory_space<semaphore_mem>>)
      } else {
      }
      %add3A_184 = arith.constant 1 : i32
      %add3A_185 = arith.addi %add3A_164, %add3A_184 : i32
      %dma_wait3A_186 = arith.constant 0 : i32
      %dma_wait3A_187 = tpu.memref_slice %arg5[%add3A_185, %dma_wait3A_186] : memref<104x128xi32, #tpu.memory_space<vmem>> -> memref<1x128xi32, #tpu.memory_space<vmem>>
      %dma_wait3A_188 = tpu.memref_squeeze %dma_wait3A_187 : memref<1x128xi32, #tpu.memory_space<vmem>> -> memref<128xi32, #tpu.memory_space<vmem>>
      %dma_wait3A_189 = arith.constant 0 : i32
      %dma_wait3A_190 = arith.constant 0 : i32
      %dma_wait3A_191 = tpu.memref_slice %arg2[%dma_wait3A_189, %dma_wait3A_190] : memref<1000000x64xf32, #tpu.memory_space<hbm>> -> memref<1000000x64xf32, #tpu.memory_space<hbm>>
      tpu.wait_indirect_dma semaphore(%arg20 : memref<!tpu.dma_semaphore, #tpu.memory_space<semaphore_mem>>) src(%dma_wait3A_191 : memref<1000000x64xf32, #tpu.memory_space<hbm>>) dst(%arg7 : memref<128x64xf32, #tpu.memory_space<vmem>>)
      %mul3A_192 = arith.constant 128 : i32
      %mul3A_193 = arith.muli %add3A_185, %mul3A_192 : i32
      %add3A_194 = arith.addi %mul3A_2, %mul3A_193 : i32
      %dma_start3A_195 = arith.constant 0 : i32
      %dma_start3A_196 = tpu.memref_slice %arg4[%add3A_194, %dma_start3A_195] : memref<425984x64xf32, #tpu.memory_space<hbm>> -> memref<128x64xf32, #tpu.memory_space<hbm>>
      %dma_start3A_197 = arith.constant 0 : i32
      %dma_start3A_198 = tpu.memref_slice %arg4[%add3A_194, %dma_start3A_197] : memref<425984x64xf32, #tpu.memory_space<hbm>> -> memref<128x64xf32, #tpu.memory_space<hbm>>
      tpu.enqueue_dma source(%arg7 : memref<128x64xf32, #tpu.memory_space<vmem>>) target(%dma_start3A_198 : memref<128x64xf32, #tpu.memory_space<hbm>>) target_semaphore(%arg33 : memref<!tpu.dma_semaphore, #tpu.memory_space<semaphore_mem>>)
      %add3A_199 = arith.constant 11 : i32
      %add3A_200 = arith.addi %add3A_185, %add3A_199 : i32
      %lt3A_201 = arith.constant 104 : i32
      %lt3A_202 = arith.cmpi slt, %add3A_200, %lt3A_201 : i32
      %convert_element_type3A_203 = arith.extui %lt3A_202 : i1 to i32
      %cond3A_204 = arith.constant 0 : i32
      %cond3A_205 = arith.cmpi ne, %convert_element_type3A_203, %cond3A_204 : i32
      scf.if %cond3A_205 {
        %add3A_448 = arith.constant 11 : i32
        %add3A_449 = arith.addi %add3A_185, %add3A_448 : i32
        %ge3A = arith.constant 13 : i32
        %ge3A_450 = arith.cmpi sge, %add3A_449, %ge3A : i32
        %convert_element_type3A_451 = arith.extui %ge3A_450 : i1 to i32
        %cond3A_452 = arith.constant 0 : i32
        %cond3A_453 = arith.cmpi ne, %convert_element_type3A_451, %cond3A_452 : i32
        scf.if %cond3A_453 {
          %add3A_462 = arith.constant 11 : i32
          %add3A_463 = arith.addi %add3A_185, %add3A_462 : i32
          %sub3A = arith.constant 13 : i32
          %sub3A_464 = arith.subi %add3A_463, %sub3A : i32
          %mul3A_465 = arith.constant 128 : i32
          %mul3A_466 = arith.muli %sub3A_464, %mul3A_465 : i32
          %add3A_467 = arith.addi %mul3A_2, %mul3A_466 : i32
          %dma_wait3A_468 = arith.constant 0 : i32
          %dma_wait3A_469 = tpu.memref_slice %arg4[%add3A_467, %dma_wait3A_468] : memref<425984x64xf32, #tpu.memory_space<hbm>> -> memref<128x64xf32, #tpu.memory_space<hbm>>
          %dma_wait3A_470 = arith.constant 0 : i32
          %dma_wait3A_471 = tpu.memref_slice %arg4[%add3A_467, %dma_wait3A_470] : memref<425984x64xf32, #tpu.memory_space<hbm>> -> memref<128x64xf32, #tpu.memory_space<hbm>>
          tpu.wait_dma2 semaphore(%arg44 : memref<!tpu.dma_semaphore, #tpu.memory_space<semaphore_mem>>) src(%arg18 : memref<128x64xf32, #tpu.memory_space<vmem>>) dst(%dma_wait3A_471 : memref<128x64xf32, #tpu.memory_space<hbm>>)
        } else {
        }
        %add3A_454 = arith.constant 11 : i32
        %add3A_455 = arith.addi %add3A_185, %add3A_454 : i32
        %dma_start3A_456 = arith.constant 0 : i32
        %dma_start3A_457 = tpu.memref_slice %arg5[%add3A_455, %dma_start3A_456] : memref<104x128xi32, #tpu.memory_space<vmem>> -> memref<1x128xi32, #tpu.memory_space<vmem>>
        %dma_start3A_458 = tpu.memref_squeeze %dma_start3A_457 : memref<1x128xi32, #tpu.memory_space<vmem>> -> memref<128xi32, #tpu.memory_space<vmem>>
        %dma_start3A_459 = arith.constant 0 : i32
        %dma_start3A_460 = arith.constant 0 : i32
        %dma_start3A_461 = tpu.memref_slice %arg2[%dma_start3A_459, %dma_start3A_460] : memref<1000000x64xf32, #tpu.memory_space<hbm>> -> memref<1000000x64xf32, #tpu.memory_space<hbm>>
        tpu.enqueue_indirect_dma source(%dma_start3A_461 : memref<1000000x64xf32, #tpu.memory_space<hbm>>) target(%arg18 : memref<128x64xf32, #tpu.memory_space<vmem>>) offsets(%dma_start3A_458 : memref<128xi32, #tpu.memory_space<vmem>>) semaphore(%arg31 : memref<!tpu.dma_semaphore, #tpu.memory_space<semaphore_mem>>)
      } else {
      }
      %add3A_206 = arith.constant 2 : i32
      %add3A_207 = arith.addi %add3A_164, %add3A_206 : i32
      %dma_wait3A_208 = arith.constant 0 : i32
      %dma_wait3A_209 = tpu.memref_slice %arg5[%add3A_207, %dma_wait3A_208] : memref<104x128xi32, #tpu.memory_space<vmem>> -> memref<1x128xi32, #tpu.memory_space<vmem>>
      %dma_wait3A_210 = tpu.memref_squeeze %dma_wait3A_209 : memref<1x128xi32, #tpu.memory_space<vmem>> -> memref<128xi32, #tpu.memory_space<vmem>>
      %dma_wait3A_211 = arith.constant 0 : i32
      %dma_wait3A_212 = arith.constant 0 : i32
      %dma_wait3A_213 = tpu.memref_slice %arg2[%dma_wait3A_211, %dma_wait3A_212] : memref<1000000x64xf32, #tpu.memory_space<hbm>> -> memref<1000000x64xf32, #tpu.memory_space<hbm>>
      tpu.wait_indirect_dma semaphore(%arg21 : memref<!tpu.dma_semaphore, #tpu.memory_space<semaphore_mem>>) src(%dma_wait3A_213 : memref<1000000x64xf32, #tpu.memory_space<hbm>>) dst(%arg8 : memref<128x64xf32, #tpu.memory_space<vmem>>)
      %mul3A_214 = arith.constant 128 : i32
      %mul3A_215 = arith.muli %add3A_207, %mul3A_214 : i32
      %add3A_216 = arith.addi %mul3A_2, %mul3A_215 : i32
      %dma_start3A_217 = arith.constant 0 : i32
      %dma_start3A_218 = tpu.memref_slice %arg4[%add3A_216, %dma_start3A_217] : memref<425984x64xf32, #tpu.memory_space<hbm>> -> memref<128x64xf32, #tpu.memory_space<hbm>>
      %dma_start3A_219 = arith.constant 0 : i32
      %dma_start3A_220 = tpu.memref_slice %arg4[%add3A_216, %dma_start3A_219] : memref<425984x64xf32, #tpu.memory_space<hbm>> -> memref<128x64xf32, #tpu.memory_space<hbm>>
      tpu.enqueue_dma source(%arg8 : memref<128x64xf32, #tpu.memory_space<vmem>>) target(%dma_start3A_220 : memref<128x64xf32, #tpu.memory_space<hbm>>) target_semaphore(%arg34 : memref<!tpu.dma_semaphore, #tpu.memory_space<semaphore_mem>>)
      %add3A_221 = arith.constant 11 : i32
      %add3A_222 = arith.addi %add3A_207, %add3A_221 : i32
      %lt3A_223 = arith.constant 104 : i32
      %lt3A_224 = arith.cmpi slt, %add3A_222, %lt3A_223 : i32
      %convert_element_type3A_225 = arith.extui %lt3A_224 : i1 to i32
      %cond3A_226 = arith.constant 0 : i32
      %cond3A_227 = arith.cmpi ne, %convert_element_type3A_225, %cond3A_226 : i32
      scf.if %cond3A_227 {
        %add3A_448 = arith.constant 11 : i32
        %add3A_449 = arith.addi %add3A_207, %add3A_448 : i32
        %ge3A = arith.constant 13 : i32
        %ge3A_450 = arith.cmpi sge, %add3A_449, %ge3A : i32
        %convert_element_type3A_451 = arith.extui %ge3A_450 : i1 to i32
        %cond3A_452 = arith.constant 0 : i32
        %cond3A_453 = arith.cmpi ne, %convert_element_type3A_451, %cond3A_452 : i32
        scf.if %cond3A_453 {
          %add3A_462 = arith.constant 11 : i32
          %add3A_463 = arith.addi %add3A_207, %add3A_462 : i32
          %sub3A = arith.constant 13 : i32
          %sub3A_464 = arith.subi %add3A_463, %sub3A : i32
          %mul3A_465 = arith.constant 128 : i32
          %mul3A_466 = arith.muli %sub3A_464, %mul3A_465 : i32
          %add3A_467 = arith.addi %mul3A_2, %mul3A_466 : i32
          %dma_wait3A_468 = arith.constant 0 : i32
          %dma_wait3A_469 = tpu.memref_slice %arg4[%add3A_467, %dma_wait3A_468] : memref<425984x64xf32, #tpu.memory_space<hbm>> -> memref<128x64xf32, #tpu.memory_space<hbm>>
          %dma_wait3A_470 = arith.constant 0 : i32
          %dma_wait3A_471 = tpu.memref_slice %arg4[%add3A_467, %dma_wait3A_470] : memref<425984x64xf32, #tpu.memory_space<hbm>> -> memref<128x64xf32, #tpu.memory_space<hbm>>
          tpu.wait_dma2 semaphore(%arg32 : memref<!tpu.dma_semaphore, #tpu.memory_space<semaphore_mem>>) src(%arg6 : memref<128x64xf32, #tpu.memory_space<vmem>>) dst(%dma_wait3A_471 : memref<128x64xf32, #tpu.memory_space<hbm>>)
        } else {
        }
        %add3A_454 = arith.constant 11 : i32
        %add3A_455 = arith.addi %add3A_207, %add3A_454 : i32
        %dma_start3A_456 = arith.constant 0 : i32
        %dma_start3A_457 = tpu.memref_slice %arg5[%add3A_455, %dma_start3A_456] : memref<104x128xi32, #tpu.memory_space<vmem>> -> memref<1x128xi32, #tpu.memory_space<vmem>>
        %dma_start3A_458 = tpu.memref_squeeze %dma_start3A_457 : memref<1x128xi32, #tpu.memory_space<vmem>> -> memref<128xi32, #tpu.memory_space<vmem>>
        %dma_start3A_459 = arith.constant 0 : i32
        %dma_start3A_460 = arith.constant 0 : i32
        %dma_start3A_461 = tpu.memref_slice %arg2[%dma_start3A_459, %dma_start3A_460] : memref<1000000x64xf32, #tpu.memory_space<hbm>> -> memref<1000000x64xf32, #tpu.memory_space<hbm>>
        tpu.enqueue_indirect_dma source(%dma_start3A_461 : memref<1000000x64xf32, #tpu.memory_space<hbm>>) target(%arg6 : memref<128x64xf32, #tpu.memory_space<vmem>>) offsets(%dma_start3A_458 : memref<128xi32, #tpu.memory_space<vmem>>) semaphore(%arg19 : memref<!tpu.dma_semaphore, #tpu.memory_space<semaphore_mem>>)
      } else {
      }
      %add3A_228 = arith.constant 3 : i32
      %add3A_229 = arith.addi %add3A_164, %add3A_228 : i32
      %dma_wait3A_230 = arith.constant 0 : i32
      %dma_wait3A_231 = tpu.memref_slice %arg5[%add3A_229, %dma_wait3A_230] : memref<104x128xi32, #tpu.memory_space<vmem>> -> memref<1x128xi32, #tpu.memory_space<vmem>>
      %dma_wait3A_232 = tpu.memref_squeeze %dma_wait3A_231 : memref<1x128xi32, #tpu.memory_space<vmem>> -> memref<128xi32, #tpu.memory_space<vmem>>
      %dma_wait3A_233 = arith.constant 0 : i32
      %dma_wait3A_234 = arith.constant 0 : i32
      %dma_wait3A_235 = tpu.memref_slice %arg2[%dma_wait3A_233, %dma_wait3A_234] : memref<1000000x64xf32, #tpu.memory_space<hbm>> -> memref<1000000x64xf32, #tpu.memory_space<hbm>>
      tpu.wait_indirect_dma semaphore(%arg22 : memref<!tpu.dma_semaphore, #tpu.memory_space<semaphore_mem>>) src(%dma_wait3A_235 : memref<1000000x64xf32, #tpu.memory_space<hbm>>) dst(%arg9 : memref<128x64xf32, #tpu.memory_space<vmem>>)
      %mul3A_236 = arith.constant 128 : i32
      %mul3A_237 = arith.muli %add3A_229, %mul3A_236 : i32
      %add3A_238 = arith.addi %mul3A_2, %mul3A_237 : i32
      %dma_start3A_239 = arith.constant 0 : i32
      %dma_start3A_240 = tpu.memref_slice %arg4[%add3A_238, %dma_start3A_239] : memref<425984x64xf32, #tpu.memory_space<hbm>> -> memref<128x64xf32, #tpu.memory_space<hbm>>
      %dma_start3A_241 = arith.constant 0 : i32
      %dma_start3A_242 = tpu.memref_slice %arg4[%add3A_238, %dma_start3A_241] : memref<425984x64xf32, #tpu.memory_space<hbm>> -> memref<128x64xf32, #tpu.memory_space<hbm>>
      tpu.enqueue_dma source(%arg9 : memref<128x64xf32, #tpu.memory_space<vmem>>) target(%dma_start3A_242 : memref<128x64xf32, #tpu.memory_space<hbm>>) target_semaphore(%arg35 : memref<!tpu.dma_semaphore, #tpu.memory_space<semaphore_mem>>)
      %add3A_243 = arith.constant 11 : i32
      %add3A_244 = arith.addi %add3A_229, %add3A_243 : i32
      %lt3A_245 = arith.constant 104 : i32
      %lt3A_246 = arith.cmpi slt, %add3A_244, %lt3A_245 : i32
      %convert_element_type3A_247 = arith.extui %lt3A_246 : i1 to i32
      %cond3A_248 = arith.constant 0 : i32
      %cond3A_249 = arith.cmpi ne, %convert_element_type3A_247, %cond3A_248 : i32
      scf.if %cond3A_249 {
        %add3A_448 = arith.constant 11 : i32
        %add3A_449 = arith.addi %add3A_229, %add3A_448 : i32
        %ge3A = arith.constant 13 : i32
        %ge3A_450 = arith.cmpi sge, %add3A_449, %ge3A : i32
        %convert_element_type3A_451 = arith.extui %ge3A_450 : i1 to i32
        %cond3A_452 = arith.constant 0 : i32
        %cond3A_453 = arith.cmpi ne, %convert_element_type3A_451, %cond3A_452 : i32
        scf.if %cond3A_453 {
          %add3A_462 = arith.constant 11 : i32
          %add3A_463 = arith.addi %add3A_229, %add3A_462 : i32
          %sub3A = arith.constant 13 : i32
          %sub3A_464 = arith.subi %add3A_463, %sub3A : i32
          %mul3A_465 = arith.constant 128 : i32
          %mul3A_466 = arith.muli %sub3A_464, %mul3A_465 : i32
          %add3A_467 = arith.addi %mul3A_2, %mul3A_466 : i32
          %dma_wait3A_468 = arith.constant 0 : i32
          %dma_wait3A_469 = tpu.memref_slice %arg4[%add3A_467, %dma_wait3A_468] : memref<425984x64xf32, #tpu.memory_space<hbm>> -> memref<128x64xf32, #tpu.memory_space<hbm>>
          %dma_wait3A_470 = arith.constant 0 : i32
          %dma_wait3A_471 = tpu.memref_slice %arg4[%add3A_467, %dma_wait3A_470] : memref<425984x64xf32, #tpu.memory_space<hbm>> -> memref<128x64xf32, #tpu.memory_space<hbm>>
          tpu.wait_dma2 semaphore(%arg33 : memref<!tpu.dma_semaphore, #tpu.memory_space<semaphore_mem>>) src(%arg7 : memref<128x64xf32, #tpu.memory_space<vmem>>) dst(%dma_wait3A_471 : memref<128x64xf32, #tpu.memory_space<hbm>>)
        } else {
        }
        %add3A_454 = arith.constant 11 : i32
        %add3A_455 = arith.addi %add3A_229, %add3A_454 : i32
        %dma_start3A_456 = arith.constant 0 : i32
        %dma_start3A_457 = tpu.memref_slice %arg5[%add3A_455, %dma_start3A_456] : memref<104x128xi32, #tpu.memory_space<vmem>> -> memref<1x128xi32, #tpu.memory_space<vmem>>
        %dma_start3A_458 = tpu.memref_squeeze %dma_start3A_457 : memref<1x128xi32, #tpu.memory_space<vmem>> -> memref<128xi32, #tpu.memory_space<vmem>>
        %dma_start3A_459 = arith.constant 0 : i32
        %dma_start3A_460 = arith.constant 0 : i32
        %dma_start3A_461 = tpu.memref_slice %arg2[%dma_start3A_459, %dma_start3A_460] : memref<1000000x64xf32, #tpu.memory_space<hbm>> -> memref<1000000x64xf32, #tpu.memory_space<hbm>>
        tpu.enqueue_indirect_dma source(%dma_start3A_461 : memref<1000000x64xf32, #tpu.memory_space<hbm>>) target(%arg7 : memref<128x64xf32, #tpu.memory_space<vmem>>) offsets(%dma_start3A_458 : memref<128xi32, #tpu.memory_space<vmem>>) semaphore(%arg20 : memref<!tpu.dma_semaphore, #tpu.memory_space<semaphore_mem>>)
      } else {
      }
      %add3A_250 = arith.constant 4 : i32
      %add3A_251 = arith.addi %add3A_164, %add3A_250 : i32
      %dma_wait3A_252 = arith.constant 0 : i32
      %dma_wait3A_253 = tpu.memref_slice %arg5[%add3A_251, %dma_wait3A_252] : memref<104x128xi32, #tpu.memory_space<vmem>> -> memref<1x128xi32, #tpu.memory_space<vmem>>
      %dma_wait3A_254 = tpu.memref_squeeze %dma_wait3A_253 : memref<1x128xi32, #tpu.memory_space<vmem>> -> memref<128xi32, #tpu.memory_space<vmem>>
      %dma_wait3A_255 = arith.constant 0 : i32
      %dma_wait3A_256 = arith.constant 0 : i32
      %dma_wait3A_257 = tpu.memref_slice %arg2[%dma_wait3A_255, %dma_wait3A_256] : memref<1000000x64xf32, #tpu.memory_space<hbm>> -> memref<1000000x64xf32, #tpu.memory_space<hbm>>
      tpu.wait_indirect_dma semaphore(%arg23 : memref<!tpu.dma_semaphore, #tpu.memory_space<semaphore_mem>>) src(%dma_wait3A_257 : memref<1000000x64xf32, #tpu.memory_space<hbm>>) dst(%arg10 : memref<128x64xf32, #tpu.memory_space<vmem>>)
      %mul3A_258 = arith.constant 128 : i32
      %mul3A_259 = arith.muli %add3A_251, %mul3A_258 : i32
      %add3A_260 = arith.addi %mul3A_2, %mul3A_259 : i32
      %dma_start3A_261 = arith.constant 0 : i32
      %dma_start3A_262 = tpu.memref_slice %arg4[%add3A_260, %dma_start3A_261] : memref<425984x64xf32, #tpu.memory_space<hbm>> -> memref<128x64xf32, #tpu.memory_space<hbm>>
      %dma_start3A_263 = arith.constant 0 : i32
      %dma_start3A_264 = tpu.memref_slice %arg4[%add3A_260, %dma_start3A_263] : memref<425984x64xf32, #tpu.memory_space<hbm>> -> memref<128x64xf32, #tpu.memory_space<hbm>>
      tpu.enqueue_dma source(%arg10 : memref<128x64xf32, #tpu.memory_space<vmem>>) target(%dma_start3A_264 : memref<128x64xf32, #tpu.memory_space<hbm>>) target_semaphore(%arg36 : memref<!tpu.dma_semaphore, #tpu.memory_space<semaphore_mem>>)
      %add3A_265 = arith.constant 11 : i32
      %add3A_266 = arith.addi %add3A_251, %add3A_265 : i32
      %lt3A_267 = arith.constant 104 : i32
      %lt3A_268 = arith.cmpi slt, %add3A_266, %lt3A_267 : i32
      %convert_element_type3A_269 = arith.extui %lt3A_268 : i1 to i32
      %cond3A_270 = arith.constant 0 : i32
      %cond3A_271 = arith.cmpi ne, %convert_element_type3A_269, %cond3A_270 : i32
      scf.if %cond3A_271 {
        %add3A_448 = arith.constant 11 : i32
        %add3A_449 = arith.addi %add3A_251, %add3A_448 : i32
        %ge3A = arith.constant 13 : i32
        %ge3A_450 = arith.cmpi sge, %add3A_449, %ge3A : i32
        %convert_element_type3A_451 = arith.extui %ge3A_450 : i1 to i32
        %cond3A_452 = arith.constant 0 : i32
        %cond3A_453 = arith.cmpi ne, %convert_element_type3A_451, %cond3A_452 : i32
        scf.if %cond3A_453 {
          %add3A_462 = arith.constant 11 : i32
          %add3A_463 = arith.addi %add3A_251, %add3A_462 : i32
          %sub3A = arith.constant 13 : i32
          %sub3A_464 = arith.subi %add3A_463, %sub3A : i32
          %mul3A_465 = arith.constant 128 : i32
          %mul3A_466 = arith.muli %sub3A_464, %mul3A_465 : i32
          %add3A_467 = arith.addi %mul3A_2, %mul3A_466 : i32
          %dma_wait3A_468 = arith.constant 0 : i32
          %dma_wait3A_469 = tpu.memref_slice %arg4[%add3A_467, %dma_wait3A_468] : memref<425984x64xf32, #tpu.memory_space<hbm>> -> memref<128x64xf32, #tpu.memory_space<hbm>>
          %dma_wait3A_470 = arith.constant 0 : i32
          %dma_wait3A_471 = tpu.memref_slice %arg4[%add3A_467, %dma_wait3A_470] : memref<425984x64xf32, #tpu.memory_space<hbm>> -> memref<128x64xf32, #tpu.memory_space<hbm>>
          tpu.wait_dma2 semaphore(%arg34 : memref<!tpu.dma_semaphore, #tpu.memory_space<semaphore_mem>>) src(%arg8 : memref<128x64xf32, #tpu.memory_space<vmem>>) dst(%dma_wait3A_471 : memref<128x64xf32, #tpu.memory_space<hbm>>)
        } else {
        }
        %add3A_454 = arith.constant 11 : i32
        %add3A_455 = arith.addi %add3A_251, %add3A_454 : i32
        %dma_start3A_456 = arith.constant 0 : i32
        %dma_start3A_457 = tpu.memref_slice %arg5[%add3A_455, %dma_start3A_456] : memref<104x128xi32, #tpu.memory_space<vmem>> -> memref<1x128xi32, #tpu.memory_space<vmem>>
        %dma_start3A_458 = tpu.memref_squeeze %dma_start3A_457 : memref<1x128xi32, #tpu.memory_space<vmem>> -> memref<128xi32, #tpu.memory_space<vmem>>
        %dma_start3A_459 = arith.constant 0 : i32
        %dma_start3A_460 = arith.constant 0 : i32
        %dma_start3A_461 = tpu.memref_slice %arg2[%dma_start3A_459, %dma_start3A_460] : memref<1000000x64xf32, #tpu.memory_space<hbm>> -> memref<1000000x64xf32, #tpu.memory_space<hbm>>
        tpu.enqueue_indirect_dma source(%dma_start3A_461 : memref<1000000x64xf32, #tpu.memory_space<hbm>>) target(%arg8 : memref<128x64xf32, #tpu.memory_space<vmem>>) offsets(%dma_start3A_458 : memref<128xi32, #tpu.memory_space<vmem>>) semaphore(%arg21 : memref<!tpu.dma_semaphore, #tpu.memory_space<semaphore_mem>>)
      } else {
      }
      %add3A_272 = arith.constant 5 : i32
      %add3A_273 = arith.addi %add3A_164, %add3A_272 : i32
      %dma_wait3A_274 = arith.constant 0 : i32
      %dma_wait3A_275 = tpu.memref_slice %arg5[%add3A_273, %dma_wait3A_274] : memref<104x128xi32, #tpu.memory_space<vmem>> -> memref<1x128xi32, #tpu.memory_space<vmem>>
      %dma_wait3A_276 = tpu.memref_squeeze %dma_wait3A_275 : memref<1x128xi32, #tpu.memory_space<vmem>> -> memref<128xi32, #tpu.memory_space<vmem>>
      %dma_wait3A_277 = arith.constant 0 : i32
      %dma_wait3A_278 = arith.constant 0 : i32
      %dma_wait3A_279 = tpu.memref_slice %arg2[%dma_wait3A_277, %dma_wait3A_278] : memref<1000000x64xf32, #tpu.memory_space<hbm>> -> memref<1000000x64xf32, #tpu.memory_space<hbm>>
      tpu.wait_indirect_dma semaphore(%arg24 : memref<!tpu.dma_semaphore, #tpu.memory_space<semaphore_mem>>) src(%dma_wait3A_279 : memref<1000000x64xf32, #tpu.memory_space<hbm>>) dst(%arg11 : memref<128x64xf32, #tpu.memory_space<vmem>>)
      %mul3A_280 = arith.constant 128 : i32
      %mul3A_281 = arith.muli %add3A_273, %mul3A_280 : i32
      %add3A_282 = arith.addi %mul3A_2, %mul3A_281 : i32
      %dma_start3A_283 = arith.constant 0 : i32
      %dma_start3A_284 = tpu.memref_slice %arg4[%add3A_282, %dma_start3A_283] : memref<425984x64xf32, #tpu.memory_space<hbm>> -> memref<128x64xf32, #tpu.memory_space<hbm>>
      %dma_start3A_285 = arith.constant 0 : i32
      %dma_start3A_286 = tpu.memref_slice %arg4[%add3A_282, %dma_start3A_285] : memref<425984x64xf32, #tpu.memory_space<hbm>> -> memref<128x64xf32, #tpu.memory_space<hbm>>
      tpu.enqueue_dma source(%arg11 : memref<128x64xf32, #tpu.memory_space<vmem>>) target(%dma_start3A_286 : memref<128x64xf32, #tpu.memory_space<hbm>>) target_semaphore(%arg37 : memref<!tpu.dma_semaphore, #tpu.memory_space<semaphore_mem>>)
      %add3A_287 = arith.constant 11 : i32
      %add3A_288 = arith.addi %add3A_273, %add3A_287 : i32
      %lt3A_289 = arith.constant 104 : i32
      %lt3A_290 = arith.cmpi slt, %add3A_288, %lt3A_289 : i32
      %convert_element_type3A_291 = arith.extui %lt3A_290 : i1 to i32
      %cond3A_292 = arith.constant 0 : i32
      %cond3A_293 = arith.cmpi ne, %convert_element_type3A_291, %cond3A_292 : i32
      scf.if %cond3A_293 {
        %add3A_448 = arith.constant 11 : i32
        %add3A_449 = arith.addi %add3A_273, %add3A_448 : i32
        %ge3A = arith.constant 13 : i32
        %ge3A_450 = arith.cmpi sge, %add3A_449, %ge3A : i32
        %convert_element_type3A_451 = arith.extui %ge3A_450 : i1 to i32
        %cond3A_452 = arith.constant 0 : i32
        %cond3A_453 = arith.cmpi ne, %convert_element_type3A_451, %cond3A_452 : i32
        scf.if %cond3A_453 {
          %add3A_462 = arith.constant 11 : i32
          %add3A_463 = arith.addi %add3A_273, %add3A_462 : i32
          %sub3A = arith.constant 13 : i32
          %sub3A_464 = arith.subi %add3A_463, %sub3A : i32
          %mul3A_465 = arith.constant 128 : i32
          %mul3A_466 = arith.muli %sub3A_464, %mul3A_465 : i32
          %add3A_467 = arith.addi %mul3A_2, %mul3A_466 : i32
          %dma_wait3A_468 = arith.constant 0 : i32
          %dma_wait3A_469 = tpu.memref_slice %arg4[%add3A_467, %dma_wait3A_468] : memref<425984x64xf32, #tpu.memory_space<hbm>> -> memref<128x64xf32, #tpu.memory_space<hbm>>
          %dma_wait3A_470 = arith.constant 0 : i32
          %dma_wait3A_471 = tpu.memref_slice %arg4[%add3A_467, %dma_wait3A_470] : memref<425984x64xf32, #tpu.memory_space<hbm>> -> memref<128x64xf32, #tpu.memory_space<hbm>>
          tpu.wait_dma2 semaphore(%arg35 : memref<!tpu.dma_semaphore, #tpu.memory_space<semaphore_mem>>) src(%arg9 : memref<128x64xf32, #tpu.memory_space<vmem>>) dst(%dma_wait3A_471 : memref<128x64xf32, #tpu.memory_space<hbm>>)
        } else {
        }
        %add3A_454 = arith.constant 11 : i32
        %add3A_455 = arith.addi %add3A_273, %add3A_454 : i32
        %dma_start3A_456 = arith.constant 0 : i32
        %dma_start3A_457 = tpu.memref_slice %arg5[%add3A_455, %dma_start3A_456] : memref<104x128xi32, #tpu.memory_space<vmem>> -> memref<1x128xi32, #tpu.memory_space<vmem>>
        %dma_start3A_458 = tpu.memref_squeeze %dma_start3A_457 : memref<1x128xi32, #tpu.memory_space<vmem>> -> memref<128xi32, #tpu.memory_space<vmem>>
        %dma_start3A_459 = arith.constant 0 : i32
        %dma_start3A_460 = arith.constant 0 : i32
        %dma_start3A_461 = tpu.memref_slice %arg2[%dma_start3A_459, %dma_start3A_460] : memref<1000000x64xf32, #tpu.memory_space<hbm>> -> memref<1000000x64xf32, #tpu.memory_space<hbm>>
        tpu.enqueue_indirect_dma source(%dma_start3A_461 : memref<1000000x64xf32, #tpu.memory_space<hbm>>) target(%arg9 : memref<128x64xf32, #tpu.memory_space<vmem>>) offsets(%dma_start3A_458 : memref<128xi32, #tpu.memory_space<vmem>>) semaphore(%arg22 : memref<!tpu.dma_semaphore, #tpu.memory_space<semaphore_mem>>)
      } else {
      }
      %add3A_294 = arith.constant 6 : i32
      %add3A_295 = arith.addi %add3A_164, %add3A_294 : i32
      %dma_wait3A_296 = arith.constant 0 : i32
      %dma_wait3A_297 = tpu.memref_slice %arg5[%add3A_295, %dma_wait3A_296] : memref<104x128xi32, #tpu.memory_space<vmem>> -> memref<1x128xi32, #tpu.memory_space<vmem>>
      %dma_wait3A_298 = tpu.memref_squeeze %dma_wait3A_297 : memref<1x128xi32, #tpu.memory_space<vmem>> -> memref<128xi32, #tpu.memory_space<vmem>>
      %dma_wait3A_299 = arith.constant 0 : i32
      %dma_wait3A_300 = arith.constant 0 : i32
      %dma_wait3A_301 = tpu.memref_slice %arg2[%dma_wait3A_299, %dma_wait3A_300] : memref<1000000x64xf32, #tpu.memory_space<hbm>> -> memref<1000000x64xf32, #tpu.memory_space<hbm>>
      tpu.wait_indirect_dma semaphore(%arg25 : memref<!tpu.dma_semaphore, #tpu.memory_space<semaphore_mem>>) src(%dma_wait3A_301 : memref<1000000x64xf32, #tpu.memory_space<hbm>>) dst(%arg12 : memref<128x64xf32, #tpu.memory_space<vmem>>)
      %mul3A_302 = arith.constant 128 : i32
      %mul3A_303 = arith.muli %add3A_295, %mul3A_302 : i32
      %add3A_304 = arith.addi %mul3A_2, %mul3A_303 : i32
      %dma_start3A_305 = arith.constant 0 : i32
      %dma_start3A_306 = tpu.memref_slice %arg4[%add3A_304, %dma_start3A_305] : memref<425984x64xf32, #tpu.memory_space<hbm>> -> memref<128x64xf32, #tpu.memory_space<hbm>>
      %dma_start3A_307 = arith.constant 0 : i32
      %dma_start3A_308 = tpu.memref_slice %arg4[%add3A_304, %dma_start3A_307] : memref<425984x64xf32, #tpu.memory_space<hbm>> -> memref<128x64xf32, #tpu.memory_space<hbm>>
      tpu.enqueue_dma source(%arg12 : memref<128x64xf32, #tpu.memory_space<vmem>>) target(%dma_start3A_308 : memref<128x64xf32, #tpu.memory_space<hbm>>) target_semaphore(%arg38 : memref<!tpu.dma_semaphore, #tpu.memory_space<semaphore_mem>>)
      %add3A_309 = arith.constant 11 : i32
      %add3A_310 = arith.addi %add3A_295, %add3A_309 : i32
      %lt3A_311 = arith.constant 104 : i32
      %lt3A_312 = arith.cmpi slt, %add3A_310, %lt3A_311 : i32
      %convert_element_type3A_313 = arith.extui %lt3A_312 : i1 to i32
      %cond3A_314 = arith.constant 0 : i32
      %cond3A_315 = arith.cmpi ne, %convert_element_type3A_313, %cond3A_314 : i32
      scf.if %cond3A_315 {
        %add3A_448 = arith.constant 11 : i32
        %add3A_449 = arith.addi %add3A_295, %add3A_448 : i32
        %ge3A = arith.constant 13 : i32
        %ge3A_450 = arith.cmpi sge, %add3A_449, %ge3A : i32
        %convert_element_type3A_451 = arith.extui %ge3A_450 : i1 to i32
        %cond3A_452 = arith.constant 0 : i32
        %cond3A_453 = arith.cmpi ne, %convert_element_type3A_451, %cond3A_452 : i32
        scf.if %cond3A_453 {
          %add3A_462 = arith.constant 11 : i32
          %add3A_463 = arith.addi %add3A_295, %add3A_462 : i32
          %sub3A = arith.constant 13 : i32
          %sub3A_464 = arith.subi %add3A_463, %sub3A : i32
          %mul3A_465 = arith.constant 128 : i32
          %mul3A_466 = arith.muli %sub3A_464, %mul3A_465 : i32
          %add3A_467 = arith.addi %mul3A_2, %mul3A_466 : i32
          %dma_wait3A_468 = arith.constant 0 : i32
          %dma_wait3A_469 = tpu.memref_slice %arg4[%add3A_467, %dma_wait3A_468] : memref<425984x64xf32, #tpu.memory_space<hbm>> -> memref<128x64xf32, #tpu.memory_space<hbm>>
          %dma_wait3A_470 = arith.constant 0 : i32
          %dma_wait3A_471 = tpu.memref_slice %arg4[%add3A_467, %dma_wait3A_470] : memref<425984x64xf32, #tpu.memory_space<hbm>> -> memref<128x64xf32, #tpu.memory_space<hbm>>
          tpu.wait_dma2 semaphore(%arg36 : memref<!tpu.dma_semaphore, #tpu.memory_space<semaphore_mem>>) src(%arg10 : memref<128x64xf32, #tpu.memory_space<vmem>>) dst(%dma_wait3A_471 : memref<128x64xf32, #tpu.memory_space<hbm>>)
        } else {
        }
        %add3A_454 = arith.constant 11 : i32
        %add3A_455 = arith.addi %add3A_295, %add3A_454 : i32
        %dma_start3A_456 = arith.constant 0 : i32
        %dma_start3A_457 = tpu.memref_slice %arg5[%add3A_455, %dma_start3A_456] : memref<104x128xi32, #tpu.memory_space<vmem>> -> memref<1x128xi32, #tpu.memory_space<vmem>>
        %dma_start3A_458 = tpu.memref_squeeze %dma_start3A_457 : memref<1x128xi32, #tpu.memory_space<vmem>> -> memref<128xi32, #tpu.memory_space<vmem>>
        %dma_start3A_459 = arith.constant 0 : i32
        %dma_start3A_460 = arith.constant 0 : i32
        %dma_start3A_461 = tpu.memref_slice %arg2[%dma_start3A_459, %dma_start3A_460] : memref<1000000x64xf32, #tpu.memory_space<hbm>> -> memref<1000000x64xf32, #tpu.memory_space<hbm>>
        tpu.enqueue_indirect_dma source(%dma_start3A_461 : memref<1000000x64xf32, #tpu.memory_space<hbm>>) target(%arg10 : memref<128x64xf32, #tpu.memory_space<vmem>>) offsets(%dma_start3A_458 : memref<128xi32, #tpu.memory_space<vmem>>) semaphore(%arg23 : memref<!tpu.dma_semaphore, #tpu.memory_space<semaphore_mem>>)
      } else {
      }
      %add3A_316 = arith.constant 7 : i32
      %add3A_317 = arith.addi %add3A_164, %add3A_316 : i32
      %dma_wait3A_318 = arith.constant 0 : i32
      %dma_wait3A_319 = tpu.memref_slice %arg5[%add3A_317, %dma_wait3A_318] : memref<104x128xi32, #tpu.memory_space<vmem>> -> memref<1x128xi32, #tpu.memory_space<vmem>>
      %dma_wait3A_320 = tpu.memref_squeeze %dma_wait3A_319 : memref<1x128xi32, #tpu.memory_space<vmem>> -> memref<128xi32, #tpu.memory_space<vmem>>
      %dma_wait3A_321 = arith.constant 0 : i32
      %dma_wait3A_322 = arith.constant 0 : i32
      %dma_wait3A_323 = tpu.memref_slice %arg2[%dma_wait3A_321, %dma_wait3A_322] : memref<1000000x64xf32, #tpu.memory_space<hbm>> -> memref<1000000x64xf32, #tpu.memory_space<hbm>>
      tpu.wait_indirect_dma semaphore(%arg26 : memref<!tpu.dma_semaphore, #tpu.memory_space<semaphore_mem>>) src(%dma_wait3A_323 : memref<1000000x64xf32, #tpu.memory_space<hbm>>) dst(%arg13 : memref<128x64xf32, #tpu.memory_space<vmem>>)
      %mul3A_324 = arith.constant 128 : i32
      %mul3A_325 = arith.muli %add3A_317, %mul3A_324 : i32
      %add3A_326 = arith.addi %mul3A_2, %mul3A_325 : i32
      %dma_start3A_327 = arith.constant 0 : i32
      %dma_start3A_328 = tpu.memref_slice %arg4[%add3A_326, %dma_start3A_327] : memref<425984x64xf32, #tpu.memory_space<hbm>> -> memref<128x64xf32, #tpu.memory_space<hbm>>
      %dma_start3A_329 = arith.constant 0 : i32
      %dma_start3A_330 = tpu.memref_slice %arg4[%add3A_326, %dma_start3A_329] : memref<425984x64xf32, #tpu.memory_space<hbm>> -> memref<128x64xf32, #tpu.memory_space<hbm>>
      tpu.enqueue_dma source(%arg13 : memref<128x64xf32, #tpu.memory_space<vmem>>) target(%dma_start3A_330 : memref<128x64xf32, #tpu.memory_space<hbm>>) target_semaphore(%arg39 : memref<!tpu.dma_semaphore, #tpu.memory_space<semaphore_mem>>)
      %add3A_331 = arith.constant 11 : i32
      %add3A_332 = arith.addi %add3A_317, %add3A_331 : i32
      %lt3A_333 = arith.constant 104 : i32
      %lt3A_334 = arith.cmpi slt, %add3A_332, %lt3A_333 : i32
      %convert_element_type3A_335 = arith.extui %lt3A_334 : i1 to i32
      %cond3A_336 = arith.constant 0 : i32
      %cond3A_337 = arith.cmpi ne, %convert_element_type3A_335, %cond3A_336 : i32
      scf.if %cond3A_337 {
        %add3A_448 = arith.constant 11 : i32
        %add3A_449 = arith.addi %add3A_317, %add3A_448 : i32
        %ge3A = arith.constant 13 : i32
        %ge3A_450 = arith.cmpi sge, %add3A_449, %ge3A : i32
        %convert_element_type3A_451 = arith.extui %ge3A_450 : i1 to i32
        %cond3A_452 = arith.constant 0 : i32
        %cond3A_453 = arith.cmpi ne, %convert_element_type3A_451, %cond3A_452 : i32
        scf.if %cond3A_453 {
          %add3A_462 = arith.constant 11 : i32
          %add3A_463 = arith.addi %add3A_317, %add3A_462 : i32
          %sub3A = arith.constant 13 : i32
          %sub3A_464 = arith.subi %add3A_463, %sub3A : i32
          %mul3A_465 = arith.constant 128 : i32
          %mul3A_466 = arith.muli %sub3A_464, %mul3A_465 : i32
          %add3A_467 = arith.addi %mul3A_2, %mul3A_466 : i32
          %dma_wait3A_468 = arith.constant 0 : i32
          %dma_wait3A_469 = tpu.memref_slice %arg4[%add3A_467, %dma_wait3A_468] : memref<425984x64xf32, #tpu.memory_space<hbm>> -> memref<128x64xf32, #tpu.memory_space<hbm>>
          %dma_wait3A_470 = arith.constant 0 : i32
          %dma_wait3A_471 = tpu.memref_slice %arg4[%add3A_467, %dma_wait3A_470] : memref<425984x64xf32, #tpu.memory_space<hbm>> -> memref<128x64xf32, #tpu.memory_space<hbm>>
          tpu.wait_dma2 semaphore(%arg37 : memref<!tpu.dma_semaphore, #tpu.memory_space<semaphore_mem>>) src(%arg11 : memref<128x64xf32, #tpu.memory_space<vmem>>) dst(%dma_wait3A_471 : memref<128x64xf32, #tpu.memory_space<hbm>>)
        } else {
        }
        %add3A_454 = arith.constant 11 : i32
        %add3A_455 = arith.addi %add3A_317, %add3A_454 : i32
        %dma_start3A_456 = arith.constant 0 : i32
        %dma_start3A_457 = tpu.memref_slice %arg5[%add3A_455, %dma_start3A_456] : memref<104x128xi32, #tpu.memory_space<vmem>> -> memref<1x128xi32, #tpu.memory_space<vmem>>
        %dma_start3A_458 = tpu.memref_squeeze %dma_start3A_457 : memref<1x128xi32, #tpu.memory_space<vmem>> -> memref<128xi32, #tpu.memory_space<vmem>>
        %dma_start3A_459 = arith.constant 0 : i32
        %dma_start3A_460 = arith.constant 0 : i32
        %dma_start3A_461 = tpu.memref_slice %arg2[%dma_start3A_459, %dma_start3A_460] : memref<1000000x64xf32, #tpu.memory_space<hbm>> -> memref<1000000x64xf32, #tpu.memory_space<hbm>>
        tpu.enqueue_indirect_dma source(%dma_start3A_461 : memref<1000000x64xf32, #tpu.memory_space<hbm>>) target(%arg11 : memref<128x64xf32, #tpu.memory_space<vmem>>) offsets(%dma_start3A_458 : memref<128xi32, #tpu.memory_space<vmem>>) semaphore(%arg24 : memref<!tpu.dma_semaphore, #tpu.memory_space<semaphore_mem>>)
      } else {
      }
      %add3A_338 = arith.constant 8 : i32
      %add3A_339 = arith.addi %add3A_164, %add3A_338 : i32
      %dma_wait3A_340 = arith.constant 0 : i32
      %dma_wait3A_341 = tpu.memref_slice %arg5[%add3A_339, %dma_wait3A_340] : memref<104x128xi32, #tpu.memory_space<vmem>> -> memref<1x128xi32, #tpu.memory_space<vmem>>
      %dma_wait3A_342 = tpu.memref_squeeze %dma_wait3A_341 : memref<1x128xi32, #tpu.memory_space<vmem>> -> memref<128xi32, #tpu.memory_space<vmem>>
      %dma_wait3A_343 = arith.constant 0 : i32
      %dma_wait3A_344 = arith.constant 0 : i32
      %dma_wait3A_345 = tpu.memref_slice %arg2[%dma_wait3A_343, %dma_wait3A_344] : memref<1000000x64xf32, #tpu.memory_space<hbm>> -> memref<1000000x64xf32, #tpu.memory_space<hbm>>
      tpu.wait_indirect_dma semaphore(%arg27 : memref<!tpu.dma_semaphore, #tpu.memory_space<semaphore_mem>>) src(%dma_wait3A_345 : memref<1000000x64xf32, #tpu.memory_space<hbm>>) dst(%arg14 : memref<128x64xf32, #tpu.memory_space<vmem>>)
      %mul3A_346 = arith.constant 128 : i32
      %mul3A_347 = arith.muli %add3A_339, %mul3A_346 : i32
      %add3A_348 = arith.addi %mul3A_2, %mul3A_347 : i32
      %dma_start3A_349 = arith.constant 0 : i32
      %dma_start3A_350 = tpu.memref_slice %arg4[%add3A_348, %dma_start3A_349] : memref<425984x64xf32, #tpu.memory_space<hbm>> -> memref<128x64xf32, #tpu.memory_space<hbm>>
      %dma_start3A_351 = arith.constant 0 : i32
      %dma_start3A_352 = tpu.memref_slice %arg4[%add3A_348, %dma_start3A_351] : memref<425984x64xf32, #tpu.memory_space<hbm>> -> memref<128x64xf32, #tpu.memory_space<hbm>>
      tpu.enqueue_dma source(%arg14 : memref<128x64xf32, #tpu.memory_space<vmem>>) target(%dma_start3A_352 : memref<128x64xf32, #tpu.memory_space<hbm>>) target_semaphore(%arg40 : memref<!tpu.dma_semaphore, #tpu.memory_space<semaphore_mem>>)
      %add3A_353 = arith.constant 11 : i32
      %add3A_354 = arith.addi %add3A_339, %add3A_353 : i32
      %lt3A_355 = arith.constant 104 : i32
      %lt3A_356 = arith.cmpi slt, %add3A_354, %lt3A_355 : i32
      %convert_element_type3A_357 = arith.extui %lt3A_356 : i1 to i32
      %cond3A_358 = arith.constant 0 : i32
      %cond3A_359 = arith.cmpi ne, %convert_element_type3A_357, %cond3A_358 : i32
      scf.if %cond3A_359 {
        %add3A_448 = arith.constant 11 : i32
        %add3A_449 = arith.addi %add3A_339, %add3A_448 : i32
        %ge3A = arith.constant 13 : i32
        %ge3A_450 = arith.cmpi sge, %add3A_449, %ge3A : i32
        %convert_element_type3A_451 = arith.extui %ge3A_450 : i1 to i32
        %cond3A_452 = arith.constant 0 : i32
        %cond3A_453 = arith.cmpi ne, %convert_element_type3A_451, %cond3A_452 : i32
        scf.if %cond3A_453 {
          %add3A_462 = arith.constant 11 : i32
          %add3A_463 = arith.addi %add3A_339, %add3A_462 : i32
          %sub3A = arith.constant 13 : i32
          %sub3A_464 = arith.subi %add3A_463, %sub3A : i32
          %mul3A_465 = arith.constant 128 : i32
          %mul3A_466 = arith.muli %sub3A_464, %mul3A_465 : i32
          %add3A_467 = arith.addi %mul3A_2, %mul3A_466 : i32
          %dma_wait3A_468 = arith.constant 0 : i32
          %dma_wait3A_469 = tpu.memref_slice %arg4[%add3A_467, %dma_wait3A_468] : memref<425984x64xf32, #tpu.memory_space<hbm>> -> memref<128x64xf32, #tpu.memory_space<hbm>>
          %dma_wait3A_470 = arith.constant 0 : i32
          %dma_wait3A_471 = tpu.memref_slice %arg4[%add3A_467, %dma_wait3A_470] : memref<425984x64xf32, #tpu.memory_space<hbm>> -> memref<128x64xf32, #tpu.memory_space<hbm>>
          tpu.wait_dma2 semaphore(%arg38 : memref<!tpu.dma_semaphore, #tpu.memory_space<semaphore_mem>>) src(%arg12 : memref<128x64xf32, #tpu.memory_space<vmem>>) dst(%dma_wait3A_471 : memref<128x64xf32, #tpu.memory_space<hbm>>)
        } else {
        }
        %add3A_454 = arith.constant 11 : i32
        %add3A_455 = arith.addi %add3A_339, %add3A_454 : i32
        %dma_start3A_456 = arith.constant 0 : i32
        %dma_start3A_457 = tpu.memref_slice %arg5[%add3A_455, %dma_start3A_456] : memref<104x128xi32, #tpu.memory_space<vmem>> -> memref<1x128xi32, #tpu.memory_space<vmem>>
        %dma_start3A_458 = tpu.memref_squeeze %dma_start3A_457 : memref<1x128xi32, #tpu.memory_space<vmem>> -> memref<128xi32, #tpu.memory_space<vmem>>
        %dma_start3A_459 = arith.constant 0 : i32
        %dma_start3A_460 = arith.constant 0 : i32
        %dma_start3A_461 = tpu.memref_slice %arg2[%dma_start3A_459, %dma_start3A_460] : memref<1000000x64xf32, #tpu.memory_space<hbm>> -> memref<1000000x64xf32, #tpu.memory_space<hbm>>
        tpu.enqueue_indirect_dma source(%dma_start3A_461 : memref<1000000x64xf32, #tpu.memory_space<hbm>>) target(%arg12 : memref<128x64xf32, #tpu.memory_space<vmem>>) offsets(%dma_start3A_458 : memref<128xi32, #tpu.memory_space<vmem>>) semaphore(%arg25 : memref<!tpu.dma_semaphore, #tpu.memory_space<semaphore_mem>>)
      } else {
      }
      %add3A_360 = arith.constant 9 : i32
      %add3A_361 = arith.addi %add3A_164, %add3A_360 : i32
      %dma_wait3A_362 = arith.constant 0 : i32
      %dma_wait3A_363 = tpu.memref_slice %arg5[%add3A_361, %dma_wait3A_362] : memref<104x128xi32, #tpu.memory_space<vmem>> -> memref<1x128xi32, #tpu.memory_space<vmem>>
      %dma_wait3A_364 = tpu.memref_squeeze %dma_wait3A_363 : memref<1x128xi32, #tpu.memory_space<vmem>> -> memref<128xi32, #tpu.memory_space<vmem>>
      %dma_wait3A_365 = arith.constant 0 : i32
      %dma_wait3A_366 = arith.constant 0 : i32
      %dma_wait3A_367 = tpu.memref_slice %arg2[%dma_wait3A_365, %dma_wait3A_366] : memref<1000000x64xf32, #tpu.memory_space<hbm>> -> memref<1000000x64xf32, #tpu.memory_space<hbm>>
      tpu.wait_indirect_dma semaphore(%arg28 : memref<!tpu.dma_semaphore, #tpu.memory_space<semaphore_mem>>) src(%dma_wait3A_367 : memref<1000000x64xf32, #tpu.memory_space<hbm>>) dst(%arg15 : memref<128x64xf32, #tpu.memory_space<vmem>>)
      %mul3A_368 = arith.constant 128 : i32
      %mul3A_369 = arith.muli %add3A_361, %mul3A_368 : i32
      %add3A_370 = arith.addi %mul3A_2, %mul3A_369 : i32
      %dma_start3A_371 = arith.constant 0 : i32
      %dma_start3A_372 = tpu.memref_slice %arg4[%add3A_370, %dma_start3A_371] : memref<425984x64xf32, #tpu.memory_space<hbm>> -> memref<128x64xf32, #tpu.memory_space<hbm>>
      %dma_start3A_373 = arith.constant 0 : i32
      %dma_start3A_374 = tpu.memref_slice %arg4[%add3A_370, %dma_start3A_373] : memref<425984x64xf32, #tpu.memory_space<hbm>> -> memref<128x64xf32, #tpu.memory_space<hbm>>
      tpu.enqueue_dma source(%arg15 : memref<128x64xf32, #tpu.memory_space<vmem>>) target(%dma_start3A_374 : memref<128x64xf32, #tpu.memory_space<hbm>>) target_semaphore(%arg41 : memref<!tpu.dma_semaphore, #tpu.memory_space<semaphore_mem>>)
      %add3A_375 = arith.constant 11 : i32
      %add3A_376 = arith.addi %add3A_361, %add3A_375 : i32
      %lt3A_377 = arith.constant 104 : i32
      %lt3A_378 = arith.cmpi slt, %add3A_376, %lt3A_377 : i32
      %convert_element_type3A_379 = arith.extui %lt3A_378 : i1 to i32
      %cond3A_380 = arith.constant 0 : i32
      %cond3A_381 = arith.cmpi ne, %convert_element_type3A_379, %cond3A_380 : i32
      scf.if %cond3A_381 {
        %add3A_448 = arith.constant 11 : i32
        %add3A_449 = arith.addi %add3A_361, %add3A_448 : i32
        %ge3A = arith.constant 13 : i32
        %ge3A_450 = arith.cmpi sge, %add3A_449, %ge3A : i32
        %convert_element_type3A_451 = arith.extui %ge3A_450 : i1 to i32
        %cond3A_452 = arith.constant 0 : i32
        %cond3A_453 = arith.cmpi ne, %convert_element_type3A_451, %cond3A_452 : i32
        scf.if %cond3A_453 {
          %add3A_462 = arith.constant 11 : i32
          %add3A_463 = arith.addi %add3A_361, %add3A_462 : i32
          %sub3A = arith.constant 13 : i32
          %sub3A_464 = arith.subi %add3A_463, %sub3A : i32
          %mul3A_465 = arith.constant 128 : i32
          %mul3A_466 = arith.muli %sub3A_464, %mul3A_465 : i32
          %add3A_467 = arith.addi %mul3A_2, %mul3A_466 : i32
          %dma_wait3A_468 = arith.constant 0 : i32
          %dma_wait3A_469 = tpu.memref_slice %arg4[%add3A_467, %dma_wait3A_468] : memref<425984x64xf32, #tpu.memory_space<hbm>> -> memref<128x64xf32, #tpu.memory_space<hbm>>
          %dma_wait3A_470 = arith.constant 0 : i32
          %dma_wait3A_471 = tpu.memref_slice %arg4[%add3A_467, %dma_wait3A_470] : memref<425984x64xf32, #tpu.memory_space<hbm>> -> memref<128x64xf32, #tpu.memory_space<hbm>>
          tpu.wait_dma2 semaphore(%arg39 : memref<!tpu.dma_semaphore, #tpu.memory_space<semaphore_mem>>) src(%arg13 : memref<128x64xf32, #tpu.memory_space<vmem>>) dst(%dma_wait3A_471 : memref<128x64xf32, #tpu.memory_space<hbm>>)
        } else {
        }
        %add3A_454 = arith.constant 11 : i32
        %add3A_455 = arith.addi %add3A_361, %add3A_454 : i32
        %dma_start3A_456 = arith.constant 0 : i32
        %dma_start3A_457 = tpu.memref_slice %arg5[%add3A_455, %dma_start3A_456] : memref<104x128xi32, #tpu.memory_space<vmem>> -> memref<1x128xi32, #tpu.memory_space<vmem>>
        %dma_start3A_458 = tpu.memref_squeeze %dma_start3A_457 : memref<1x128xi32, #tpu.memory_space<vmem>> -> memref<128xi32, #tpu.memory_space<vmem>>
        %dma_start3A_459 = arith.constant 0 : i32
        %dma_start3A_460 = arith.constant 0 : i32
        %dma_start3A_461 = tpu.memref_slice %arg2[%dma_start3A_459, %dma_start3A_460] : memref<1000000x64xf32, #tpu.memory_space<hbm>> -> memref<1000000x64xf32, #tpu.memory_space<hbm>>
        tpu.enqueue_indirect_dma source(%dma_start3A_461 : memref<1000000x64xf32, #tpu.memory_space<hbm>>) target(%arg13 : memref<128x64xf32, #tpu.memory_space<vmem>>) offsets(%dma_start3A_458 : memref<128xi32, #tpu.memory_space<vmem>>) semaphore(%arg26 : memref<!tpu.dma_semaphore, #tpu.memory_space<semaphore_mem>>)
      } else {
      }
      %add3A_382 = arith.constant 10 : i32
      %add3A_383 = arith.addi %add3A_164, %add3A_382 : i32
      %dma_wait3A_384 = arith.constant 0 : i32
      %dma_wait3A_385 = tpu.memref_slice %arg5[%add3A_383, %dma_wait3A_384] : memref<104x128xi32, #tpu.memory_space<vmem>> -> memref<1x128xi32, #tpu.memory_space<vmem>>
      %dma_wait3A_386 = tpu.memref_squeeze %dma_wait3A_385 : memref<1x128xi32, #tpu.memory_space<vmem>> -> memref<128xi32, #tpu.memory_space<vmem>>
      %dma_wait3A_387 = arith.constant 0 : i32
      %dma_wait3A_388 = arith.constant 0 : i32
      %dma_wait3A_389 = tpu.memref_slice %arg2[%dma_wait3A_387, %dma_wait3A_388] : memref<1000000x64xf32, #tpu.memory_space<hbm>> -> memref<1000000x64xf32, #tpu.memory_space<hbm>>
      tpu.wait_indirect_dma semaphore(%arg29 : memref<!tpu.dma_semaphore, #tpu.memory_space<semaphore_mem>>) src(%dma_wait3A_389 : memref<1000000x64xf32, #tpu.memory_space<hbm>>) dst(%arg16 : memref<128x64xf32, #tpu.memory_space<vmem>>)
      %mul3A_390 = arith.constant 128 : i32
      %mul3A_391 = arith.muli %add3A_383, %mul3A_390 : i32
      %add3A_392 = arith.addi %mul3A_2, %mul3A_391 : i32
      %dma_start3A_393 = arith.constant 0 : i32
      %dma_start3A_394 = tpu.memref_slice %arg4[%add3A_392, %dma_start3A_393] : memref<425984x64xf32, #tpu.memory_space<hbm>> -> memref<128x64xf32, #tpu.memory_space<hbm>>
      %dma_start3A_395 = arith.constant 0 : i32
      %dma_start3A_396 = tpu.memref_slice %arg4[%add3A_392, %dma_start3A_395] : memref<425984x64xf32, #tpu.memory_space<hbm>> -> memref<128x64xf32, #tpu.memory_space<hbm>>
      tpu.enqueue_dma source(%arg16 : memref<128x64xf32, #tpu.memory_space<vmem>>) target(%dma_start3A_396 : memref<128x64xf32, #tpu.memory_space<hbm>>) target_semaphore(%arg42 : memref<!tpu.dma_semaphore, #tpu.memory_space<semaphore_mem>>)
      %add3A_397 = arith.constant 11 : i32
      %add3A_398 = arith.addi %add3A_383, %add3A_397 : i32
      %lt3A_399 = arith.constant 104 : i32
      %lt3A_400 = arith.cmpi slt, %add3A_398, %lt3A_399 : i32
      %convert_element_type3A_401 = arith.extui %lt3A_400 : i1 to i32
      %cond3A_402 = arith.constant 0 : i32
      %cond3A_403 = arith.cmpi ne, %convert_element_type3A_401, %cond3A_402 : i32
      scf.if %cond3A_403 {
        %add3A_448 = arith.constant 11 : i32
        %add3A_449 = arith.addi %add3A_383, %add3A_448 : i32
        %ge3A = arith.constant 13 : i32
        %ge3A_450 = arith.cmpi sge, %add3A_449, %ge3A : i32
        %convert_element_type3A_451 = arith.extui %ge3A_450 : i1 to i32
        %cond3A_452 = arith.constant 0 : i32
        %cond3A_453 = arith.cmpi ne, %convert_element_type3A_451, %cond3A_452 : i32
        scf.if %cond3A_453 {
          %add3A_462 = arith.constant 11 : i32
          %add3A_463 = arith.addi %add3A_383, %add3A_462 : i32
          %sub3A = arith.constant 13 : i32
          %sub3A_464 = arith.subi %add3A_463, %sub3A : i32
          %mul3A_465 = arith.constant 128 : i32
          %mul3A_466 = arith.muli %sub3A_464, %mul3A_465 : i32
          %add3A_467 = arith.addi %mul3A_2, %mul3A_466 : i32
          %dma_wait3A_468 = arith.constant 0 : i32
          %dma_wait3A_469 = tpu.memref_slice %arg4[%add3A_467, %dma_wait3A_468] : memref<425984x64xf32, #tpu.memory_space<hbm>> -> memref<128x64xf32, #tpu.memory_space<hbm>>
          %dma_wait3A_470 = arith.constant 0 : i32
          %dma_wait3A_471 = tpu.memref_slice %arg4[%add3A_467, %dma_wait3A_470] : memref<425984x64xf32, #tpu.memory_space<hbm>> -> memref<128x64xf32, #tpu.memory_space<hbm>>
          tpu.wait_dma2 semaphore(%arg40 : memref<!tpu.dma_semaphore, #tpu.memory_space<semaphore_mem>>) src(%arg14 : memref<128x64xf32, #tpu.memory_space<vmem>>) dst(%dma_wait3A_471 : memref<128x64xf32, #tpu.memory_space<hbm>>)
        } else {
        }
        %add3A_454 = arith.constant 11 : i32
        %add3A_455 = arith.addi %add3A_383, %add3A_454 : i32
        %dma_start3A_456 = arith.constant 0 : i32
        %dma_start3A_457 = tpu.memref_slice %arg5[%add3A_455, %dma_start3A_456] : memref<104x128xi32, #tpu.memory_space<vmem>> -> memref<1x128xi32, #tpu.memory_space<vmem>>
        %dma_start3A_458 = tpu.memref_squeeze %dma_start3A_457 : memref<1x128xi32, #tpu.memory_space<vmem>> -> memref<128xi32, #tpu.memory_space<vmem>>
        %dma_start3A_459 = arith.constant 0 : i32
        %dma_start3A_460 = arith.constant 0 : i32
        %dma_start3A_461 = tpu.memref_slice %arg2[%dma_start3A_459, %dma_start3A_460] : memref<1000000x64xf32, #tpu.memory_space<hbm>> -> memref<1000000x64xf32, #tpu.memory_space<hbm>>
        tpu.enqueue_indirect_dma source(%dma_start3A_461 : memref<1000000x64xf32, #tpu.memory_space<hbm>>) target(%arg14 : memref<128x64xf32, #tpu.memory_space<vmem>>) offsets(%dma_start3A_458 : memref<128xi32, #tpu.memory_space<vmem>>) semaphore(%arg27 : memref<!tpu.dma_semaphore, #tpu.memory_space<semaphore_mem>>)
      } else {
      }
      %add3A_404 = arith.constant 11 : i32
      %add3A_405 = arith.addi %add3A_164, %add3A_404 : i32
      %dma_wait3A_406 = arith.constant 0 : i32
      %dma_wait3A_407 = tpu.memref_slice %arg5[%add3A_405, %dma_wait3A_406] : memref<104x128xi32, #tpu.memory_space<vmem>> -> memref<1x128xi32, #tpu.memory_space<vmem>>
      %dma_wait3A_408 = tpu.memref_squeeze %dma_wait3A_407 : memref<1x128xi32, #tpu.memory_space<vmem>> -> memref<128xi32, #tpu.memory_space<vmem>>
      %dma_wait3A_409 = arith.constant 0 : i32
      %dma_wait3A_410 = arith.constant 0 : i32
      %dma_wait3A_411 = tpu.memref_slice %arg2[%dma_wait3A_409, %dma_wait3A_410] : memref<1000000x64xf32, #tpu.memory_space<hbm>> -> memref<1000000x64xf32, #tpu.memory_space<hbm>>
      tpu.wait_indirect_dma semaphore(%arg30 : memref<!tpu.dma_semaphore, #tpu.memory_space<semaphore_mem>>) src(%dma_wait3A_411 : memref<1000000x64xf32, #tpu.memory_space<hbm>>) dst(%arg17 : memref<128x64xf32, #tpu.memory_space<vmem>>)
      %mul3A_412 = arith.constant 128 : i32
      %mul3A_413 = arith.muli %add3A_405, %mul3A_412 : i32
      %add3A_414 = arith.addi %mul3A_2, %mul3A_413 : i32
      %dma_start3A_415 = arith.constant 0 : i32
      %dma_start3A_416 = tpu.memref_slice %arg4[%add3A_414, %dma_start3A_415] : memref<425984x64xf32, #tpu.memory_space<hbm>> -> memref<128x64xf32, #tpu.memory_space<hbm>>
      %dma_start3A_417 = arith.constant 0 : i32
      %dma_start3A_418 = tpu.memref_slice %arg4[%add3A_414, %dma_start3A_417] : memref<425984x64xf32, #tpu.memory_space<hbm>> -> memref<128x64xf32, #tpu.memory_space<hbm>>
      tpu.enqueue_dma source(%arg17 : memref<128x64xf32, #tpu.memory_space<vmem>>) target(%dma_start3A_418 : memref<128x64xf32, #tpu.memory_space<hbm>>) target_semaphore(%arg43 : memref<!tpu.dma_semaphore, #tpu.memory_space<semaphore_mem>>)
      %add3A_419 = arith.constant 11 : i32
      %add3A_420 = arith.addi %add3A_405, %add3A_419 : i32
      %lt3A_421 = arith.constant 104 : i32
      %lt3A_422 = arith.cmpi slt, %add3A_420, %lt3A_421 : i32
      %convert_element_type3A_423 = arith.extui %lt3A_422 : i1 to i32
      %cond3A_424 = arith.constant 0 : i32
      %cond3A_425 = arith.cmpi ne, %convert_element_type3A_423, %cond3A_424 : i32
      scf.if %cond3A_425 {
        %add3A_448 = arith.constant 11 : i32
        %add3A_449 = arith.addi %add3A_405, %add3A_448 : i32
        %ge3A = arith.constant 13 : i32
        %ge3A_450 = arith.cmpi sge, %add3A_449, %ge3A : i32
        %convert_element_type3A_451 = arith.extui %ge3A_450 : i1 to i32
        %cond3A_452 = arith.constant 0 : i32
        %cond3A_453 = arith.cmpi ne, %convert_element_type3A_451, %cond3A_452 : i32
        scf.if %cond3A_453 {
          %add3A_462 = arith.constant 11 : i32
          %add3A_463 = arith.addi %add3A_405, %add3A_462 : i32
          %sub3A = arith.constant 13 : i32
          %sub3A_464 = arith.subi %add3A_463, %sub3A : i32
          %mul3A_465 = arith.constant 128 : i32
          %mul3A_466 = arith.muli %sub3A_464, %mul3A_465 : i32
          %add3A_467 = arith.addi %mul3A_2, %mul3A_466 : i32
          %dma_wait3A_468 = arith.constant 0 : i32
          %dma_wait3A_469 = tpu.memref_slice %arg4[%add3A_467, %dma_wait3A_468] : memref<425984x64xf32, #tpu.memory_space<hbm>> -> memref<128x64xf32, #tpu.memory_space<hbm>>
          %dma_wait3A_470 = arith.constant 0 : i32
          %dma_wait3A_471 = tpu.memref_slice %arg4[%add3A_467, %dma_wait3A_470] : memref<425984x64xf32, #tpu.memory_space<hbm>> -> memref<128x64xf32, #tpu.memory_space<hbm>>
          tpu.wait_dma2 semaphore(%arg41 : memref<!tpu.dma_semaphore, #tpu.memory_space<semaphore_mem>>) src(%arg15 : memref<128x64xf32, #tpu.memory_space<vmem>>) dst(%dma_wait3A_471 : memref<128x64xf32, #tpu.memory_space<hbm>>)
        } else {
        }
        %add3A_454 = arith.constant 11 : i32
        %add3A_455 = arith.addi %add3A_405, %add3A_454 : i32
        %dma_start3A_456 = arith.constant 0 : i32
        %dma_start3A_457 = tpu.memref_slice %arg5[%add3A_455, %dma_start3A_456] : memref<104x128xi32, #tpu.memory_space<vmem>> -> memref<1x128xi32, #tpu.memory_space<vmem>>
        %dma_start3A_458 = tpu.memref_squeeze %dma_start3A_457 : memref<1x128xi32, #tpu.memory_space<vmem>> -> memref<128xi32, #tpu.memory_space<vmem>>
        %dma_start3A_459 = arith.constant 0 : i32
        %dma_start3A_460 = arith.constant 0 : i32
        %dma_start3A_461 = tpu.memref_slice %arg2[%dma_start3A_459, %dma_start3A_460] : memref<1000000x64xf32, #tpu.memory_space<hbm>> -> memref<1000000x64xf32, #tpu.memory_space<hbm>>
        tpu.enqueue_indirect_dma source(%dma_start3A_461 : memref<1000000x64xf32, #tpu.memory_space<hbm>>) target(%arg15 : memref<128x64xf32, #tpu.memory_space<vmem>>) offsets(%dma_start3A_458 : memref<128xi32, #tpu.memory_space<vmem>>) semaphore(%arg28 : memref<!tpu.dma_semaphore, #tpu.memory_space<semaphore_mem>>)
      } else {
      }
      %add3A_426 = arith.constant 12 : i32
      %add3A_427 = arith.addi %add3A_164, %add3A_426 : i32
      %dma_wait3A_428 = arith.constant 0 : i32
      %dma_wait3A_429 = tpu.memref_slice %arg5[%add3A_427, %dma_wait3A_428] : memref<104x128xi32, #tpu.memory_space<vmem>> -> memref<1x128xi32, #tpu.memory_space<vmem>>
      %dma_wait3A_430 = tpu.memref_squeeze %dma_wait3A_429 : memref<1x128xi32, #tpu.memory_space<vmem>> -> memref<128xi32, #tpu.memory_space<vmem>>
      %dma_wait3A_431 = arith.constant 0 : i32
      %dma_wait3A_432 = arith.constant 0 : i32
      %dma_wait3A_433 = tpu.memref_slice %arg2[%dma_wait3A_431, %dma_wait3A_432] : memref<1000000x64xf32, #tpu.memory_space<hbm>> -> memref<1000000x64xf32, #tpu.memory_space<hbm>>
      tpu.wait_indirect_dma semaphore(%arg31 : memref<!tpu.dma_semaphore, #tpu.memory_space<semaphore_mem>>) src(%dma_wait3A_433 : memref<1000000x64xf32, #tpu.memory_space<hbm>>) dst(%arg18 : memref<128x64xf32, #tpu.memory_space<vmem>>)
      %mul3A_434 = arith.constant 128 : i32
      %mul3A_435 = arith.muli %add3A_427, %mul3A_434 : i32
      %add3A_436 = arith.addi %mul3A_2, %mul3A_435 : i32
      %dma_start3A_437 = arith.constant 0 : i32
      %dma_start3A_438 = tpu.memref_slice %arg4[%add3A_436, %dma_start3A_437] : memref<425984x64xf32, #tpu.memory_space<hbm>> -> memref<128x64xf32, #tpu.memory_space<hbm>>
      %dma_start3A_439 = arith.constant 0 : i32
      %dma_start3A_440 = tpu.memref_slice %arg4[%add3A_436, %dma_start3A_439] : memref<425984x64xf32, #tpu.memory_space<hbm>> -> memref<128x64xf32, #tpu.memory_space<hbm>>
      tpu.enqueue_dma source(%arg18 : memref<128x64xf32, #tpu.memory_space<vmem>>) target(%dma_start3A_440 : memref<128x64xf32, #tpu.memory_space<hbm>>) target_semaphore(%arg44 : memref<!tpu.dma_semaphore, #tpu.memory_space<semaphore_mem>>)
      %add3A_441 = arith.constant 11 : i32
      %add3A_442 = arith.addi %add3A_427, %add3A_441 : i32
      %lt3A_443 = arith.constant 104 : i32
      %lt3A_444 = arith.cmpi slt, %add3A_442, %lt3A_443 : i32
      %convert_element_type3A_445 = arith.extui %lt3A_444 : i1 to i32
      %cond3A_446 = arith.constant 0 : i32
      %cond3A_447 = arith.cmpi ne, %convert_element_type3A_445, %cond3A_446 : i32
      scf.if %cond3A_447 {
        %add3A_448 = arith.constant 11 : i32
        %add3A_449 = arith.addi %add3A_427, %add3A_448 : i32
        %ge3A = arith.constant 13 : i32
        %ge3A_450 = arith.cmpi sge, %add3A_449, %ge3A : i32
        %convert_element_type3A_451 = arith.extui %ge3A_450 : i1 to i32
        %cond3A_452 = arith.constant 0 : i32
        %cond3A_453 = arith.cmpi ne, %convert_element_type3A_451, %cond3A_452 : i32
        scf.if %cond3A_453 {
          %add3A_462 = arith.constant 11 : i32
          %add3A_463 = arith.addi %add3A_427, %add3A_462 : i32
          %sub3A = arith.constant 13 : i32
          %sub3A_464 = arith.subi %add3A_463, %sub3A : i32
          %mul3A_465 = arith.constant 128 : i32
          %mul3A_466 = arith.muli %sub3A_464, %mul3A_465 : i32
          %add3A_467 = arith.addi %mul3A_2, %mul3A_466 : i32
          %dma_wait3A_468 = arith.constant 0 : i32
          %dma_wait3A_469 = tpu.memref_slice %arg4[%add3A_467, %dma_wait3A_468] : memref<425984x64xf32, #tpu.memory_space<hbm>> -> memref<128x64xf32, #tpu.memory_space<hbm>>
          %dma_wait3A_470 = arith.constant 0 : i32
          %dma_wait3A_471 = tpu.memref_slice %arg4[%add3A_467, %dma_wait3A_470] : memref<425984x64xf32, #tpu.memory_space<hbm>> -> memref<128x64xf32, #tpu.memory_space<hbm>>
          tpu.wait_dma2 semaphore(%arg42 : memref<!tpu.dma_semaphore, #tpu.memory_space<semaphore_mem>>) src(%arg16 : memref<128x64xf32, #tpu.memory_space<vmem>>) dst(%dma_wait3A_471 : memref<128x64xf32, #tpu.memory_space<hbm>>)
        } else {
        }
        %add3A_454 = arith.constant 11 : i32
        %add3A_455 = arith.addi %add3A_427, %add3A_454 : i32
        %dma_start3A_456 = arith.constant 0 : i32
        %dma_start3A_457 = tpu.memref_slice %arg5[%add3A_455, %dma_start3A_456] : memref<104x128xi32, #tpu.memory_space<vmem>> -> memref<1x128xi32, #tpu.memory_space<vmem>>
        %dma_start3A_458 = tpu.memref_squeeze %dma_start3A_457 : memref<1x128xi32, #tpu.memory_space<vmem>> -> memref<128xi32, #tpu.memory_space<vmem>>
        %dma_start3A_459 = arith.constant 0 : i32
        %dma_start3A_460 = arith.constant 0 : i32
        %dma_start3A_461 = tpu.memref_slice %arg2[%dma_start3A_459, %dma_start3A_460] : memref<1000000x64xf32, #tpu.memory_space<hbm>> -> memref<1000000x64xf32, #tpu.memory_space<hbm>>
        tpu.enqueue_indirect_dma source(%dma_start3A_461 : memref<1000000x64xf32, #tpu.memory_space<hbm>>) target(%arg16 : memref<128x64xf32, #tpu.memory_space<vmem>>) offsets(%dma_start3A_458 : memref<128xi32, #tpu.memory_space<vmem>>) semaphore(%arg29 : memref<!tpu.dma_semaphore, #tpu.memory_space<semaphore_mem>>)
      } else {
      }
    }
    %scan3A_82 = arith.constant 8 : i32
    %add3A_83 = arith.constant 11648 : i32
    %add3A_84 = arith.addi %mul3A_2, %add3A_83 : i32
    %dma_wait3A = arith.constant 0 : i32
    %dma_wait3A_85 = tpu.memref_slice %arg4[%add3A_84, %dma_wait3A] : memref<425984x64xf32, #tpu.memory_space<hbm>> -> memref<128x64xf32, #tpu.memory_space<hbm>>
    %dma_wait3A_86 = arith.constant 0 : i32
    %dma_wait3A_87 = tpu.memref_slice %arg4[%add3A_84, %dma_wait3A_86] : memref<425984x64xf32, #tpu.memory_space<hbm>> -> memref<128x64xf32, #tpu.memory_space<hbm>>
    tpu.wait_dma2 semaphore(%arg32 : memref<!tpu.dma_semaphore, #tpu.memory_space<semaphore_mem>>) src(%arg6 : memref<128x64xf32, #tpu.memory_space<vmem>>) dst(%dma_wait3A_87 : memref<128x64xf32, #tpu.memory_space<hbm>>)
    %add3A_88 = arith.constant 11776 : i32
    %add3A_89 = arith.addi %mul3A_2, %add3A_88 : i32
    %dma_wait3A_90 = arith.constant 0 : i32
    %dma_wait3A_91 = tpu.memref_slice %arg4[%add3A_89, %dma_wait3A_90] : memref<425984x64xf32, #tpu.memory_space<hbm>> -> memref<128x64xf32, #tpu.memory_space<hbm>>
    %dma_wait3A_92 = arith.constant 0 : i32
    %dma_wait3A_93 = tpu.memref_slice %arg4[%add3A_89, %dma_wait3A_92] : memref<425984x64xf32, #tpu.memory_space<hbm>> -> memref<128x64xf32, #tpu.memory_space<hbm>>
    tpu.wait_dma2 semaphore(%arg33 : memref<!tpu.dma_semaphore, #tpu.memory_space<semaphore_mem>>) src(%arg7 : memref<128x64xf32, #tpu.memory_space<vmem>>) dst(%dma_wait3A_93 : memref<128x64xf32, #tpu.memory_space<hbm>>)
    %add3A_94 = arith.constant 11904 : i32
    %add3A_95 = arith.addi %mul3A_2, %add3A_94 : i32
    %dma_wait3A_96 = arith.constant 0 : i32
    %dma_wait3A_97 = tpu.memref_slice %arg4[%add3A_95, %dma_wait3A_96] : memref<425984x64xf32, #tpu.memory_space<hbm>> -> memref<128x64xf32, #tpu.memory_space<hbm>>
    %dma_wait3A_98 = arith.constant 0 : i32
    %dma_wait3A_99 = tpu.memref_slice %arg4[%add3A_95, %dma_wait3A_98] : memref<425984x64xf32, #tpu.memory_space<hbm>> -> memref<128x64xf32, #tpu.memory_space<hbm>>
    tpu.wait_dma2 semaphore(%arg34 : memref<!tpu.dma_semaphore, #tpu.memory_space<semaphore_mem>>) src(%arg8 : memref<128x64xf32, #tpu.memory_space<vmem>>) dst(%dma_wait3A_99 : memref<128x64xf32, #tpu.memory_space<hbm>>)
    %add3A_100 = arith.constant 12032 : i32
    %add3A_101 = arith.addi %mul3A_2, %add3A_100 : i32
    %dma_wait3A_102 = arith.constant 0 : i32
    %dma_wait3A_103 = tpu.memref_slice %arg4[%add3A_101, %dma_wait3A_102] : memref<425984x64xf32, #tpu.memory_space<hbm>> -> memref<128x64xf32, #tpu.memory_space<hbm>>
    %dma_wait3A_104 = arith.constant 0 : i32
    %dma_wait3A_105 = tpu.memref_slice %arg4[%add3A_101, %dma_wait3A_104] : memref<425984x64xf32, #tpu.memory_space<hbm>> -> memref<128x64xf32, #tpu.memory_space<hbm>>
    tpu.wait_dma2 semaphore(%arg35 : memref<!tpu.dma_semaphore, #tpu.memory_space<semaphore_mem>>) src(%arg9 : memref<128x64xf32, #tpu.memory_space<vmem>>) dst(%dma_wait3A_105 : memref<128x64xf32, #tpu.memory_space<hbm>>)
    %add3A_106 = arith.constant 12160 : i32
    %add3A_107 = arith.addi %mul3A_2, %add3A_106 : i32
    %dma_wait3A_108 = arith.constant 0 : i32
    %dma_wait3A_109 = tpu.memref_slice %arg4[%add3A_107, %dma_wait3A_108] : memref<425984x64xf32, #tpu.memory_space<hbm>> -> memref<128x64xf32, #tpu.memory_space<hbm>>
    %dma_wait3A_110 = arith.constant 0 : i32
    %dma_wait3A_111 = tpu.memref_slice %arg4[%add3A_107, %dma_wait3A_110] : memref<425984x64xf32, #tpu.memory_space<hbm>> -> memref<128x64xf32, #tpu.memory_space<hbm>>
    tpu.wait_dma2 semaphore(%arg36 : memref<!tpu.dma_semaphore, #tpu.memory_space<semaphore_mem>>) src(%arg10 : memref<128x64xf32, #tpu.memory_space<vmem>>) dst(%dma_wait3A_111 : memref<128x64xf32, #tpu.memory_space<hbm>>)
    %add3A_112 = arith.constant 12288 : i32
    %add3A_113 = arith.addi %mul3A_2, %add3A_112 : i32
    %dma_wait3A_114 = arith.constant 0 : i32
    %dma_wait3A_115 = tpu.memref_slice %arg4[%add3A_113, %dma_wait3A_114] : memref<425984x64xf32, #tpu.memory_space<hbm>> -> memref<128x64xf32, #tpu.memory_space<hbm>>
    %dma_wait3A_116 = arith.constant 0 : i32
    %dma_wait3A_117 = tpu.memref_slice %arg4[%add3A_113, %dma_wait3A_116] : memref<425984x64xf32, #tpu.memory_space<hbm>> -> memref<128x64xf32, #tpu.memory_space<hbm>>
    tpu.wait_dma2 semaphore(%arg37 : memref<!tpu.dma_semaphore, #tpu.memory_space<semaphore_mem>>) src(%arg11 : memref<128x64xf32, #tpu.memory_space<vmem>>) dst(%dma_wait3A_117 : memref<128x64xf32, #tpu.memory_space<hbm>>)
    %add3A_118 = arith.constant 12416 : i32
    %add3A_119 = arith.addi %mul3A_2, %add3A_118 : i32
    %dma_wait3A_120 = arith.constant 0 : i32
    %dma_wait3A_121 = tpu.memref_slice %arg4[%add3A_119, %dma_wait3A_120] : memref<425984x64xf32, #tpu.memory_space<hbm>> -> memref<128x64xf32, #tpu.memory_space<hbm>>
    %dma_wait3A_122 = arith.constant 0 : i32
    %dma_wait3A_123 = tpu.memref_slice %arg4[%add3A_119, %dma_wait3A_122] : memref<425984x64xf32, #tpu.memory_space<hbm>> -> memref<128x64xf32, #tpu.memory_space<hbm>>
    tpu.wait_dma2 semaphore(%arg38 : memref<!tpu.dma_semaphore, #tpu.memory_space<semaphore_mem>>) src(%arg12 : memref<128x64xf32, #tpu.memory_space<vmem>>) dst(%dma_wait3A_123 : memref<128x64xf32, #tpu.memory_space<hbm>>)
    %add3A_124 = arith.constant 12544 : i32
    %add3A_125 = arith.addi %mul3A_2, %add3A_124 : i32
    %dma_wait3A_126 = arith.constant 0 : i32
    %dma_wait3A_127 = tpu.memref_slice %arg4[%add3A_125, %dma_wait3A_126] : memref<425984x64xf32, #tpu.memory_space<hbm>> -> memref<128x64xf32, #tpu.memory_space<hbm>>
    %dma_wait3A_128 = arith.constant 0 : i32
    %dma_wait3A_129 = tpu.memref_slice %arg4[%add3A_125, %dma_wait3A_128] : memref<425984x64xf32, #tpu.memory_space<hbm>> -> memref<128x64xf32, #tpu.memory_space<hbm>>
    tpu.wait_dma2 semaphore(%arg39 : memref<!tpu.dma_semaphore, #tpu.memory_space<semaphore_mem>>) src(%arg13 : memref<128x64xf32, #tpu.memory_space<vmem>>) dst(%dma_wait3A_129 : memref<128x64xf32, #tpu.memory_space<hbm>>)
    %add3A_130 = arith.constant 12672 : i32
    %add3A_131 = arith.addi %mul3A_2, %add3A_130 : i32
    %dma_wait3A_132 = arith.constant 0 : i32
    %dma_wait3A_133 = tpu.memref_slice %arg4[%add3A_131, %dma_wait3A_132] : memref<425984x64xf32, #tpu.memory_space<hbm>> -> memref<128x64xf32, #tpu.memory_space<hbm>>
    %dma_wait3A_134 = arith.constant 0 : i32
    %dma_wait3A_135 = tpu.memref_slice %arg4[%add3A_131, %dma_wait3A_134] : memref<425984x64xf32, #tpu.memory_space<hbm>> -> memref<128x64xf32, #tpu.memory_space<hbm>>
    tpu.wait_dma2 semaphore(%arg40 : memref<!tpu.dma_semaphore, #tpu.memory_space<semaphore_mem>>) src(%arg14 : memref<128x64xf32, #tpu.memory_space<vmem>>) dst(%dma_wait3A_135 : memref<128x64xf32, #tpu.memory_space<hbm>>)
    %add3A_136 = arith.constant 12800 : i32
    %add3A_137 = arith.addi %mul3A_2, %add3A_136 : i32
    %dma_wait3A_138 = arith.constant 0 : i32
    %dma_wait3A_139 = tpu.memref_slice %arg4[%add3A_137, %dma_wait3A_138] : memref<425984x64xf32, #tpu.memory_space<hbm>> -> memref<128x64xf32, #tpu.memory_space<hbm>>
    %dma_wait3A_140 = arith.constant 0 : i32
    %dma_wait3A_141 = tpu.memref_slice %arg4[%add3A_137, %dma_wait3A_140] : memref<425984x64xf32, #tpu.memory_space<hbm>> -> memref<128x64xf32, #tpu.memory_space<hbm>>
    tpu.wait_dma2 semaphore(%arg41 : memref<!tpu.dma_semaphore, #tpu.memory_space<semaphore_mem>>) src(%arg15 : memref<128x64xf32, #tpu.memory_space<vmem>>) dst(%dma_wait3A_141 : memref<128x64xf32, #tpu.memory_space<hbm>>)
    %add3A_142 = arith.constant 12928 : i32
    %add3A_143 = arith.addi %mul3A_2, %add3A_142 : i32
    %dma_wait3A_144 = arith.constant 0 : i32
    %dma_wait3A_145 = tpu.memref_slice %arg4[%add3A_143, %dma_wait3A_144] : memref<425984x64xf32, #tpu.memory_space<hbm>> -> memref<128x64xf32, #tpu.memory_space<hbm>>
    %dma_wait3A_146 = arith.constant 0 : i32
    %dma_wait3A_147 = tpu.memref_slice %arg4[%add3A_143, %dma_wait3A_146] : memref<425984x64xf32, #tpu.memory_space<hbm>> -> memref<128x64xf32, #tpu.memory_space<hbm>>
    tpu.wait_dma2 semaphore(%arg42 : memref<!tpu.dma_semaphore, #tpu.memory_space<semaphore_mem>>) src(%arg16 : memref<128x64xf32, #tpu.memory_space<vmem>>) dst(%dma_wait3A_147 : memref<128x64xf32, #tpu.memory_space<hbm>>)
    %add3A_148 = arith.constant 13056 : i32
    %add3A_149 = arith.addi %mul3A_2, %add3A_148 : i32
    %dma_wait3A_150 = arith.constant 0 : i32
    %dma_wait3A_151 = tpu.memref_slice %arg4[%add3A_149, %dma_wait3A_150] : memref<425984x64xf32, #tpu.memory_space<hbm>> -> memref<128x64xf32, #tpu.memory_space<hbm>>
    %dma_wait3A_152 = arith.constant 0 : i32
    %dma_wait3A_153 = tpu.memref_slice %arg4[%add3A_149, %dma_wait3A_152] : memref<425984x64xf32, #tpu.memory_space<hbm>> -> memref<128x64xf32, #tpu.memory_space<hbm>>
    tpu.wait_dma2 semaphore(%arg43 : memref<!tpu.dma_semaphore, #tpu.memory_space<semaphore_mem>>) src(%arg17 : memref<128x64xf32, #tpu.memory_space<vmem>>) dst(%dma_wait3A_153 : memref<128x64xf32, #tpu.memory_space<hbm>>)
    %add3A_154 = arith.constant 13184 : i32
    %add3A_155 = arith.addi %mul3A_2, %add3A_154 : i32
    %dma_wait3A_156 = arith.constant 0 : i32
    %dma_wait3A_157 = tpu.memref_slice %arg4[%add3A_155, %dma_wait3A_156] : memref<425984x64xf32, #tpu.memory_space<hbm>> -> memref<128x64xf32, #tpu.memory_space<hbm>>
    %dma_wait3A_158 = arith.constant 0 : i32
    %dma_wait3A_159 = tpu.memref_slice %arg4[%add3A_155, %dma_wait3A_158] : memref<425984x64xf32, #tpu.memory_space<hbm>> -> memref<128x64xf32, #tpu.memory_space<hbm>>
    tpu.wait_dma2 semaphore(%arg44 : memref<!tpu.dma_semaphore, #tpu.memory_space<semaphore_mem>>) src(%arg18 : memref<128x64xf32, #tpu.memory_space<vmem>>) dst(%dma_wait3A_159 : memref<128x64xf32, #tpu.memory_space<hbm>>)
    return
  }
}

</mosaic_0001>

<sc_bundles>
// kernel: kernel.3.cloned.1.call-start
scs
__scs_entry_jumppad:
0x0: {  	(pc) =	sbr.rel $0x88, $3  }
0x1: {  	(tag) =	ssettag $0x0;
	lr =	simm.s32 $0x1  }
0x2: {  	[smem:$0x3F9F] =	sst lr;
	_ =	strace $0xD0000000  }
0x3: {  	_ = 	snop  }
0x4: {  	_ = 	snop  }
0x5: {  	_ = 	snop  }
0x6: {  	_ = 	snop  }
0x7: {  	_ = 	snop  }
__scs_overlays_trampoline_lowered:
0x8: {  	[smem:$0x3FAE] =	sst s0  }
0x9: {  	[smem:$0x3FAF] =	sst s1  }
0xa: {  	[smem:$0x3FB0] =	sst s2  }
0xb: {  	[smem:$0x3FB1] =	sst s3  }
0xc: {  	[smem:$0x3FB2] =	sst s4  }
0xd: {  	[smem:$0x3FB3] =	sst s5  }
0xe: {  	[smem:$0x3FB4] =	sst s6  }
0xf: {  	[smem:$0x3FB5] =	sst s7  }
0x10: {  	[smem:$0x3FB6] =	sst s8  }
0x11: {  	[smem:$0x3FB7] =	sst s9;
	s0 =	simm.s32 @!p0 $0x0  }
0x12: {  	s1 =	sld [smem:$0x3F9D];
	s0 =	simm.s32 @p0 $0x1  }
0x13: {  	[smem:$0x3FB8] =	sst s0;
	s0 =	simm.s32 @!p1 $0x0  }
0x14: {  	s2 =	sld [smem:$0x3F9C];
	s0 =	simm.s32 @p1 $0x1  }
0x15: {  	[smem:$0x3FB9] =	sst s0;
	s0 =	simm.s32 @!p2 $0x0  }
0x16: {  	s3 =	sld [smem:$0x3FDB];
	s0 =	simm.s32 @p2 $0x1  }
0x17: {  	s4 =	simm.s32 $0x1BF5;
	[smem:$0x3FBB] =	sst s0  }
0x18: {  	s0 =	sld [smem:$0x3F9E];
	_ =	swait.ge [sflag:s4], $0x0  }
0x19: {  	s7 =	sld [smem:$0x3F9F]  }
0x1a: {  	s8 =	sadd.s32 $0xFFFFE003, lr  }
0x1b: {  	s9 =	sadd.s32 $0xFFFFFEF7, lr;
	s5 =	simm.s32 $0xFFFFFFFF;
	p2 =	slt.u32 s8, $0xFFFFF086  }
0x1c: {  	p1 =	slt.u32 s9, $0xF7A;
	s5 =	simm.s32 @!p2 $0x0  }
0x1d: {  	s5 =	simm.s32 @p1 $0x1;
	p0 =	seq.s32 s7, s2  }
0x1e: {  	s7 =	smul.u32 @!p0 $0xF7A, s2;
	p2 =	seq.s32 @!p0 s5, $0x0  }
0x1f: {  	s9 =	smul.u32 $0xF7A, s1;
	s8 =	simm.s32 @!p0 $0x1BF5;
	p2 =	por !p2, p0  }
0x20: {  	[sflag:s8] =	ssyncset.s32 @!p0 $0xFFFFF086;
	s6 =	sadd.s32 @!p0 s3, s7;
	s7 =	simm.s32 @!p0 $0x108  }
0x21: {  	s3 =	sadd.s32 s3, s9;
	s6 =	sadd.s32 @!p0 $0x88, s6;
	s7 =	simm.s32 @p2 $0x1082  }
0x22: {  	[simem:s7], [sflag:s8] =	dma.local @!p0 [hbm:s6], $0xF7A  }
0x23: {  	s9 =	sor.u32 $0xD0000000, s2;
	s6 =	simm.s32 $0x108;
	_ =	swait.ge @!p0 [sflag:s8], $0x0  }
0x24: {  	s3 =	sadd.s32 $0x88, s3;
	s6 =	simm.s32 @!p1 $0x1082;
	[sflag:s4] =	ssyncset.s32 $0xFFFFF086  }
0x25: {  	[simem:s6], [sflag:s4] =	dma.local [hbm:s3], $0xF7A  }
0x26: {  	[smem:$0x3F9F] =	sst s1;
	(tag) =	ssettag s2;
	_ =	strace s9  }
0x27: {  	s1 =	sld [smem:$0x3FAF]  }
0x28: {  	s2 =	sld [smem:$0x3FB0]  }
0x29: {  	s4 =	sld [smem:$0x3FB2]  }
0x2a: {  	p0 =	seq.s32 s5, $0x0;
	s5 =	sld [smem:$0x3FB3]  }
0x2b: {  	s6 =	sld [smem:$0x3FB4]  }
0x2c: {  	s7 =	sld [smem:$0x3FB5]  }
0x2d: {  	s3 =	simm.s32 $0x108;
	s8 =	sld [smem:$0x3FB6]  }
0x2e: {  	s3 =	simm.s32 @!p0 $0x1082;
	s9 =	sld [smem:$0x3FB7]  }
0x2f: {  	lr =	sadd.s32 s0, s3;
	s0 =	sld [smem:$0x3FAE]  }
0x30: {  	s3 =	sld [smem:$0x3FB1]  }
0x31: {  	[smem:$0x3FBA] =	sst s10  }
0x32: {  	s10 =	sld [smem:$0x3FB8];
	_ =	sdelay $0x3  }
0x33: {  	p0 =	seq.s32 s10, $0x1;
	s10 =	sld [smem:$0x3FBA];
	_ =	sdelay $0x3  }
0x34: {  	[smem:$0x3FBA] =	sst s10  }
0x35: {  	s10 =	sld [smem:$0x3FB9];
	_ =	sdelay $0x3  }
0x36: {  	p1 =	seq.s32 s10, $0x1;
	s10 =	sld [smem:$0x3FBA];
	_ =	sdelay $0x3  }
0x37: {  	[smem:$0x3FBA] =	sst s10  }
0x38: {  	s10 =	sld [smem:$0x3FBB]  }
0x39: {  	_ = 	snop;
	(pc) =	sbr.ind lr, $3  }
0x3a: {  	_ = 	snop  }
0x3b: {  	_ = 	snop  }
0x3c: {  	p2 =	seq.s32 s10, $0x1;
	s10 =	sld [smem:$0x3FBA]  }
0x3d: {  	_ =	shalt  }
0x3e: {  	_ =	shalt  }
0x3f: {  	_ =	shalt  }
0x40: {  	_ =	shalt  }
0x41: {  	_ =	shalt  }
0x42: {  	_ =	shalt  }
0x43: {  	_ =	shalt  }
0x44: {  	_ =	shalt  }
0x45: {  	_ =	shalt  }
0x46: {  	_ =	shalt  }
0x47: {  	_ =	shalt  }
0x48: {  	_ =	shalt  }
0x49: {  	_ =	shalt  }
0x4a: {  	_ =	shalt  }
0x4b: {  	_ =	shalt  }
0x4c: {  	_ =	shalt  }
0x4d: {  	_ =	shalt  }
0x4e: {  	_ =	shalt  }
0x4f: {  	_ =	shalt  }
0x50: {  	_ =	shalt  }
0x51: {  	_ =	shalt  }
0x52: {  	_ =	shalt  }
0x53: {  	_ =	shalt  }
0x54: {  	_ =	shalt  }
0x55: {  	_ =	shalt  }
0x56: {  	_ =	shalt  }
0x57: {  	_ =	shalt  }
0x58: {  	_ =	shalt  }
0x59: {  	_ =	shalt  }
0x5a: {  	_ =	shalt  }
0x5b: {  	_ =	shalt  }
0x5c: {  	_ =	shalt  }
0x5d: {  	_ =	shalt  }
0x5e: {  	_ =	shalt  }
0x5f: {  	_ =	shalt  }
0x60: {  	_ =	shalt  }
0x61: {  	_ =	shalt  }
0x62: {  	_ =	shalt  }
0x63: {  	_ =	shalt  }
0x64: {  	_ =	shalt  }
0x65: {  	_ =	shalt  }
0x66: {  	_ =	shalt  }
0x67: {  	_ =	shalt  }
0x68: {  	_ =	shalt  }
0x69: {  	_ =	shalt  }
0x6a: {  	_ =	shalt  }
0x6b: {  	_ =	shalt  }
0x6c: {  	_ =	shalt  }
0x6d: {  	_ =	shalt  }
0x6e: {  	_ =	shalt  }
0x6f: {  	_ =	shalt  }
0x70: {  	_ =	shalt  }
0x71: {  	_ =	shalt  }
0x72: {  	_ =	shalt  }
0x73: {  	_ =	shalt  }
0x74: {  	_ =	shalt  }
0x75: {  	_ =	shalt  }
0x76: {  	_ =	shalt  }
0x77: {  	_ =	shalt  }
0x78: {  	_ =	shalt  }
0x79: {  	_ =	shalt  }
0x7a: {  	_ =	shalt  }
0x7b: {  	_ =	shalt  }
0x7c: {  	_ =	shalt  }
0x7d: {  	_ =	shalt  }
0x7e: {  	_ =	shalt  }
0x7f: {  	_ =	shalt  }
0x80: {  	_ =	shalt  }
0x81: {  	_ =	shalt  }
0x82: {  	_ =	shalt  }
0x83: {  	_ =	shalt  }
0x84: {  	_ =	shalt  }
0x85: {  	_ =	shalt  }
0x86: {  	_ =	shalt  }
0x87: {  	_ =	shalt  }
.Lfunc_end0:
.L_simem_size_0:
called_computation.1_lowered:
.L_overlay_start_0:
0x88: {  	s2 =	sld [smem:$0x3FD9]  }
0x89: {  	s3 =	sld [smem:$0x3FFE];
	_ =	sdelay $0x1  }
0x8a: {  	s1 =	srdreg.scid  }
0x8b: {  	s0 =	sand.u32 $0x1, s1  }
0x8c: {  	s17 =	sshll.u32 s0, $0xA;
	s2 =	sadd.s32 s3, s2  }
0x8d: {  	s2 =	sadd.s32 s2, s17  }
0x8e: {  	[smem:$0x3FC6] =	sst s2  }
0x8f: {  	_ = 	snop  }
0x90: {  	s2 =	sld [smem:$0x3FD0];
	(tm) =	ssettm $0x1  }
0x91: {  	s18 =	sld [smem:$0x3FFB];
	_ =	sdelay $0x3  }
0x92: {  	_ =	strace s18  }
0x93: {  	s3 =	sld [smem:$0x3FFC];
	_ =	sdelay $0x3  }
0x94: {  	_ =	strace s3  }
0x95: {  	s3 =	sld [smem:$0x3FFD];
	_ =	sdelay $0x3  }
0x96: {  	_ =	strace s3  }
0x97: {  	_ =	strace $0x8FFFFFFF  }
0x98: {  	s19 =	sld [smem:$0x3FDB];
	_ =	sdelay $0x1  }
0x99: {  	s4 =	simm.s32 $_scs_section_size  }
0x9a: {  	s5 =	simm.s32 $_size__tile_overlayer_lowered;
	s6 =	simm.s32 $_tile_overlayer_lowered  }
0x9b: {  	s22 =	simm.s32 $0x1BFF;
	s21 =	sshll.u32 s6, $0x1;
	s3 =	sadd.s32 s4, s19  }
0x9c: {  	s7 =	simm.s32 $0x0;
	s20 =	sshll.u32 s5, $0x1;
	s5 =	sadd.s32 s21, s3  }
0x9d: {  	[timem:s7], [sflag:s22] =	dma.local [hbm:s5], s20  }
0x9e: {  	_ =	swait.ge [sflag:s22], s20  }
0x9f: {  	s4 =	ssub.s32 $0x0, s20;
	[sflag:s22] =	ssyncset.done $0x0  }
0xa0: {  	[sflag:s22] =	ssyncadd.s32 s4;
	_ =	sdelay $0x1  }
0xa1: {  	s23 =	simm.s32 $0x1B8B  }
0xa2: {  	_ =	swait.ge [sflag:s23], $0x1  }
0xa3: {  	[sflag:s23] =	ssyncset.done $0x0  }
0xa4: {  	s25 =	simm.s32 $0x1B8E;
	s24 =	sld [smem:$0x3FFE];
	[sflag:s23] =	ssyncadd.s32 $0xFFFFFFFF  }
0xa5: {  	s26 =	simm.s32 $execute0_lowered;
	[smem:$0x3FD2] =	sst s25  }
0xa6: {  	s5 =	sshll.u32 s26, $0x1;
	_ =	strace $0x80000046;
	[dreg:$0x1] =	wrdreg $0xFFFFFFFF  }
0xa7: {  	s28 =	simm.s32 $_size_execute0_lowered;
	s3 =	sadd.s32 s3, s5;
	[dreg:$0x0] =	wrdreg $0x0  }
0xa8: {  	s5 =	sshll.u32 s28, $0x1;
	[dreg:$0x2] =	wrdreg s3  }
0xa9: {  	[dreg:$0x3] =	wrdreg s5  }
0xaa: {  	[dreg:$0x4] =	wrdreg $0xC0  }
0xab: {  	_ =	task [dreg:s7], $0x5FFFF  }
0xac: {  	[dreg:$0x1] =	wrdreg $0xFFFFFFFF  }
0xad: {  	[dreg:$0x0] =	wrdreg $0x60  }
0xae: {  	[dreg:$0x2] =	wrdreg s24  }
0xaf: {  	[dreg:$0x3] =	wrdreg s2  }
0xb0: {  	[dreg:$0x4] =	wrdreg $0x9  }
0xb1: {  	_ =	task.clear_ibuf [dreg:s7], $0x5FFFF;
	_ =	strace $0x90000046  }
0xb2: {  	s29 =	simm.s32 $0x9;
	_ =	strace $0x80000048  }
0xb3: {  	_ =	swait.ge [sflag:s29], $0x1  }
0xb4: {  	[sflag:s29] =	ssyncadd.s32 $0xFFFFFFFF  }
0xb5: {  	_ =	strace $0x90000048  }
0xb6: {  	_ =	sfence  }
0xb7: {  	s30 =	sld [smem:$0x0];
	_ =	sdelay $0x2  }
0xb8: {  	s31 =	sshll.u32 s1, $0xD;
	s1 =	sshrl.u32 s1, $0x2  }
0xb9: {  	s3 =	sand.u32 $0x4000, s31;
	s1 =	sadd.s32 s1, s30  }
0xba: {  	s0 =	sor.u32 s3, s0;
	s1 =	sshll.u32 s1, $0x11  }
0xbb: {  	s0 =	sor.u32 s1, s0  }
0xbc: {  	s0 =	sadd.s32 $0x8F2B, s0  }
0xbd: {  	[sflag:s0] =	ssyncadd.remote.s32 $0x1  }
0xbe: {  	_ =	sfence.sel $0xFFFF  }
0xbf: {  	[dreg:$0x0] =	wrdreg $0xFFFFFFFF;
	(pc) =	sbr.abs _section_cstart, $3  }
0xc0: {  	[dreg:$0x1] =	wrdreg $0xFFFFFFFF  }
0xc1: {  	_ =	task.clear_ibuf [dreg:s7], $0x2FFFF;
	_ =	strace $0x9FFFFFFF  }
0xc2: {  	(tm) =	ssettm $0x7FFFFFFF  }
0xc3: {  	_ =	shalt  }
tec
execute0_lowered:
.L_overlay_start_1:
0x0: {  	(tag) =	ssettag $0x1  }
0x1: {  	s0 =	rddreg [dreg:$0x0]  }
0x2: {  	s10 =	rddreg [dreg:$0x1];
	s9 =	stileid.u32  }
0x3: {  	s1 =	srdreg.scid;
	s3 =	simm.s32 $0x0;
	s8 =	smul.u32 $0x6800, s9  }
0x4: {  	s31 =	simm.s32 $0x17400;
	s29 =	simm.s32 $0x19400;
	s12 =	smul.u32 $0x34000, s9  }
0x5: {  	s1 =	sand.u32 $0x1, s1;
	s2 =	sshll.u32 s9, $0x1;
	s16 =	smul.u32 $0x1A0000, s9  }
0x6: {  	s28 =	simm.s32 $0x7;
	s2 =	sor.u32 s1, s2;
	s14 =	smul.u32 $0x1A000, s1  }
0x7: {  	s30 =	simm.s32 $0x8;
	s6 =	ssub.s32 $0x2, s1;
	s5 =	smul.u32 $0x3400, s2  }
0x8: {  	[smem:$0x7FF] =	sst s3;
	s2 =	smul.u32 $0x1A000, s2;
	s7 =	sshrl.u32 s6, $0x1  }
0x9: {  	s4 =	sadd.s32 $0xF42E00, s0;
	s6 =	ssub.s32 s6, s7;
	s7 =	smul.u32 $0x3400, s1  }
0xa: {  	_ =	strace $0x80000047;
	s1 =	smul.u32 $0xD0000, s1;
	s5 =	sshrl.u32 s5, $0x3  }
0xb: {  	s11 =	smax.u32 s6, $0x1;
	s2 =	sadd.s32 s10, s2;
	s10 =	sadd.s32 s14, s12  }
0xc: {  	s6 =	simm.s32 $0x1B400;
	s0 =	sadd.s32 s5, s0;
	[dreg:$0x4] =	wrdreg s11  }
0xd: {  	s13 =	sadd.s32 s7, s8;
	s2 =	sadd.s32 $0x18C00, s2;
	s23 =	sadd.s32 s1, s16  }
0xe: {  	s0 =	sadd.s32 $0xA00, s0;
	[dreg:$0x5] =	wrdreg s2;
	s15 =	sshll.u32 s13, $0x3  }
0xf: {  	s1 =	simm.s32 $0x1;
	[dreg:$0x3] =	wrdreg s0;
	s17 =	sadd.s32 $0x2800, s15  }
0x10: {  	s5 =	simm.s32 $0x2;
	s18 =	sadd.s32 $0x2400, s15;
	[dreg:$0x6] =	wrdreg s17  }
0x11: {  	s7 =	simm.s32 $0x18;
	s19 =	sor.u32 $0x1C00, s15;
	[dreg:$0x7] =	wrdreg s18  }
0x12: {  	s11 =	simm.s32 $0x0;
	s20 =	sor.u32 $0x1800, s15;
	[dreg:$0x8] =	wrdreg s19  }
0x13: {  	s26 =	sadd.s32 $0x18000, s23;
	s21 =	sor.u32 $0x1400, s15;
	[dreg:$0x9] =	wrdreg s20  }
0x14: {  	s2 =	simm.s32 $0xB;
	s22 =	sor.u32 $0x1000, s15;
	[dreg:$0xa] =	wrdreg s21  }
0x15: {  	s24 =	sor.u32 $0xC00, s15;
	s25 =	sor.u32 $0x800, s15;
	[dreg:$0xb] =	wrdreg s22  }
.Ltmp0:
0x16: {  	s0 =	sadd.s32 $0x16000, s23;
	[dreg:$0xc] =	wrdreg s24;
	(pc) =	sbr.rel .LBB2_1-.Ltmp0, $4  }
0x17: {  	s23 =	simm.s32 $0x5;
	[dreg:$0xd] =	wrdreg s25;
	s17 =	sor.u32 $0x400, s15  }
0x18: {  	s18 =	sshrl.u32 s26, $0x3;
	s19 =	sshrl.u32 s0, $0x3;
	s21 =	simm.s32 $0x80  }
0x19: {  	s20 =	simm.s32 $0x3;
	s22 =	simm.s32 $0x4;
	s25 =	simm.s32 $0x6  }
0x1a: {  	s0 =	simm.s32 $0xA;
	s26 =	simm.s32 $0xC;
	s24 =	simm.s32 $0xD  }
.LBB2_4:
0x1b: {  	s8 =	simm.s32 $0xE  }
0x1c: {  	_ =	swait.ge [sflag:s8], $0x2000  }
0x1d: {  	[sflag:s8] =	ssyncset.done $0x0  }
0x1e: {  	s13 =	simm.s32 $0xF;
	[sflag:s8] =	ssyncadd.s32 $0xFFFFE000  }
0x1f: {  	_ =	swait.ge [sflag:s13], $0x2000  }
0x20: {  	[sflag:s13] =	ssyncset.done $0x0  }
0x21: {  	s14 =	simm.s32 $0x10;
	[sflag:s13] =	ssyncadd.s32 $0xFFFFE000  }
0x22: {  	_ =	swait.ge [sflag:s14], $0x2000  }
0x23: {  	[sflag:s14] =	ssyncset.done $0x0  }
0x24: {  	s15 =	simm.s32 $0x11;
	[sflag:s14] =	ssyncadd.s32 $0xFFFFE000  }
0x25: {  	_ =	swait.ge [sflag:s15], $0x2000  }
0x26: {  	[sflag:s15] =	ssyncset.done $0x0  }
0x27: {  	s16 =	simm.s32 $0x12;
	[sflag:s15] =	ssyncadd.s32 $0xFFFFE000  }
0x28: {  	_ =	swait.ge [sflag:s16], $0x2000  }
0x29: {  	[sflag:s16] =	ssyncset.done $0x0  }
0x2a: {  	s9 =	simm.s32 $0x13;
	[sflag:s16] =	ssyncadd.s32 $0xFFFFE000  }
0x2b: {  	_ =	swait.ge [sflag:s9], $0x2000  }
0x2c: {  	[sflag:s9] =	ssyncset.done $0x0  }
0x2d: {  	s11 =	simm.s32 $0x14;
	[sflag:s9] =	ssyncadd.s32 $0xFFFFE000  }
0x2e: {  	_ =	swait.ge [sflag:s11], $0x2000  }
0x2f: {  	[sflag:s11] =	ssyncset.done $0x0  }
0x30: {  	s12 =	simm.s32 $0x15;
	[sflag:s11] =	ssyncadd.s32 $0xFFFFE000  }
0x31: {  	_ =	swait.ge [sflag:s12], $0x2000  }
0x32: {  	[sflag:s12] =	ssyncset.done $0x0  }
0x33: {  	s13 =	simm.s32 $0x16;
	[sflag:s12] =	ssyncadd.s32 $0xFFFFE000  }
0x34: {  	_ =	swait.ge [sflag:s13], $0x2000  }
0x35: {  	[sflag:s13] =	ssyncset.done $0x0  }
0x36: {  	s14 =	simm.s32 $0x17;
	[sflag:s13] =	ssyncadd.s32 $0xFFFFE000  }
0x37: {  	_ =	swait.ge [sflag:s14], $0x2000  }
0x38: {  	[sflag:s14] =	ssyncset.done $0x0  }
0x39: {  	[sflag:s14] =	ssyncadd.s32 $0xFFFFE000  }
0x3a: {  	_ =	swait.ge [sflag:s7], $0x2000  }
0x3b: {  	[sflag:s7] =	ssyncset.done $0x0  }
0x3c: {  	s15 =	simm.s32 $0x19;
	[sflag:s7] =	ssyncadd.s32 $0xFFFFE000  }
0x3d: {  	_ =	swait.ge [sflag:s15], $0x2000  }
0x3e: {  	[sflag:s15] =	ssyncset.done $0x0  }
0x3f: {  	s9 =	simm.s32 $0x1A;
	[sflag:s15] =	ssyncadd.s32 $0xFFFFE000  }
0x40: {  	_ =	swait.ge [sflag:s9], $0x2000  }
0x41: {  	s11 =	rddreg [dreg:$0xe]  }
0x42: {  	s16 =	rddreg [dreg:$0x4];
	s11 =	sadd.s32 $0x1, s11  }
0x43: {  	p0 =	sne.s32 s11, s16  }
.Ltmp1:
0x44: {  	_ = 	snop;
	(pc) =	sbr.rel @!p0 .LBB2_5-.Ltmp1, $3  }
0x45: {  	_ =	sdelay $0x1  }
0x46: {  	[sflag:s9] =	ssyncset.done $0x0  }
0x47: {  	[sflag:s9] =	ssyncadd.s32 $0xFFFFE000  }
.LBB2_1:
0x48: {  	[dreg:$0xe] =	wrdreg s11  }
0x49: {  	s8 =	rddreg [dreg:$0x3];
	s11 =	simm.s32 $0x1B  }
0x4a: {  	[tilespmem:s3], [sflag:$0x1B] =	stream.linear.gather [hbm4b:s8+s3], $0x3400, $0x38;
	[tilespmem:$0x1D400] =	vst v63  }
0x4b: {  	_ =	swait.ge [sflag:s11], $0x3400  }
0x4c: {  	[sflag:s11] =	ssyncset.done $0x0  }
0x4d: {  	s12 =	simm.s32 $0x3400;
	[sflag:s11] =	ssyncadd.s32 $0xFFFFCC00  }
0x4e: {  	[tilespmem:s12], [sflag:$0x1] =	stream.indirect.gather [hbm4b:s4+s21], $0x40, s3, s21, $0xb8;
	[tilespmem:$0x1D400] =	vst v63  }
0x4f: {  	s13 =	simm.s32 $0x5400  }
0x50: {  	[tilespmem:s13], [sflag:$0x2] =	stream.indirect.gather [hbm4b:s4+s21], $0x40, s21, s21, $0xb8;
	[tilespmem:$0x1D400] =	vst v63  }
0x51: {  	s14 =	simm.s32 $0x100;
	s9 =	simm.s32 $0x7400  }
0x52: {  	[tilespmem:s9], [sflag:$0x3] =	stream.indirect.gather [hbm4b:s4+s21], $0x40, s14, s21, $0xb8;
	[tilespmem:$0x1D400] =	vst v63  }
0x53: {  	s15 =	simm.s32 $0x180;
	s16 =	simm.s32 $0x9400  }
0x54: {  	[tilespmem:s16], [sflag:$0x4] =	stream.indirect.gather [hbm4b:s4+s21], $0x40, s15, s21, $0xb8;
	[tilespmem:$0x1D400] =	vst v63  }
0x55: {  	s11 =	simm.s32 $0x200;
	s12 =	simm.s32 $0xB400  }
0x56: {  	[tilespmem:s12], [sflag:$0x5] =	stream.indirect.gather [hbm4b:s4+s21], $0x40, s11, s21, $0xb8;
	[tilespmem:$0x1D400] =	vst v63  }
0x57: {  	s13 =	simm.s32 $0x280;
	s14 =	simm.s32 $0xD400  }
0x58: {  	[tilespmem:s14], [sflag:$0x6] =	stream.indirect.gather [hbm4b:s4+s21], $0x40, s13, s21, $0xb8;
	[tilespmem:$0x1D400] =	vst v63  }
0x59: {  	s15 =	simm.s32 $0x300;
	s16 =	simm.s32 $0xF400  }
0x5a: {  	[tilespmem:s16], [sflag:$0x7] =	stream.indirect.gather [hbm4b:s4+s21], $0x40, s15, s21, $0xb8;
	[tilespmem:$0x1D400] =	vst v63  }
0x5b: {  	s9 =	simm.s32 $0x380;
	s11 =	simm.s32 $0x11400  }
0x5c: {  	[tilespmem:s11], [sflag:$0x8] =	stream.indirect.gather [hbm4b:s4+s21], $0x40, s9, s21, $0xb8;
	[tilespmem:$0x1D400] =	vst v63  }
0x5d: {  	s12 =	simm.s32 $0x400;
	s13 =	simm.s32 $0x13400  }
0x5e: {  	[tilespmem:s13], [sflag:$0x9] =	stream.indirect.gather [hbm4b:s4+s21], $0x40, s12, s21, $0xb8;
	[tilespmem:$0x1D400] =	vst v63  }
0x5f: {  	s14 =	simm.s32 $0x480;
	s15 =	simm.s32 $0x15400  }
0x60: {  	[tilespmem:s15], [sflag:$0xA] =	stream.indirect.gather [hbm4b:s4+s21], $0x40, s14, s21, $0xb8;
	[tilespmem:$0x1D400] =	vst v63  }
0x61: {  	s8 =	rddreg [dreg:$0x1];
	s16 =	simm.s32 $0x500;
	s9 =	simm.s32 $0x0  }
0x62: {  	[tilespmem:s31], [sflag:$0xB] =	stream.indirect.gather [hbm4b:s4+s21], $0x40, s16, s21, $0xb8;
	[tilespmem:$0x1D400] =	vst v63  }
.LBB2_2:
0x63: {  	_ =	swait.ge [sflag:s1], $0x2000  }
0x64: {  	s11 =	sadd.s32 s8, s10;
	[sflag:s1] =	ssyncset.done $0x0  }
0x65: {  	s12 =	simm.s32 $0x3400;
	p0 =	seq.s32 s9, $0x0;
	[sflag:s1] =	ssyncadd.s32 $0xFFFFE000  }
0x66: {  	[hbm4b:s11+s3] =	stream.linear.scatter [tilespmem:s12], [sflag:$0xE], $0x2000, $0x38;
	[tilespmem:$0x1D400] =	vst v63  }
0x67: {  	s12 =	simm.s32 @!p0 $0x19  }
0x68: {  	_ =	swait.ge @!p0 [sflag:s12], $0x2000  }
0x69: {  	s11 =	sshra.s32 s9, $0x2;
	[sflag:s12] =	ssyncset.done @!p0 $0x0  }
0x6a: {  	s14 =	sadd.s32 $0x580, s11;
	[sflag:s12] =	ssyncadd.s32 @!p0 $0xFFFFE000  }
0x6b: {  	[tilespmem:s29], [sflag:$0xC] =	stream.indirect.gather [hbm4b:s4+s21], $0x40, s14, s21, $0xb8;
	[tilespmem:$0x1D400] =	vst v63  }
0x6c: {  	_ =	swait.ge [sflag:s5], $0x2000  }
0x6d: {  	s15 =	sadd.s32 s8, s17;
	[sflag:s5] =	ssyncset.done $0x0  }
0x6e: {  	s13 =	simm.s32 $0x5400;
	s12 =	simm.s32 @!p0 $0x1A;
	[sflag:s5] =	ssyncadd.s32 $0xFFFFE000  }
0x6f: {  	[hbm4b:s15+s3] =	stream.linear.scatter [tilespmem:s13], [sflag:$0xF], $0x2000, $0x38;
	[tilespmem:$0x1D400] =	vst v63  }
0x70: {  	_ =	swait.ge @!p0 [sflag:s12], $0x2000  }
0x71: {  	[sflag:s12] =	ssyncset.done @!p0 $0x0  }
0x72: {  	s16 =	sadd.s32 $0x600, s11;
	[sflag:s12] =	ssyncadd.s32 @!p0 $0xFFFFE000  }
0x73: {  	[tilespmem:s6], [sflag:$0xD] =	stream.indirect.gather [hbm4b:s4+s21], $0x40, s16, s21, $0xb8;
	[tilespmem:$0x1D400] =	vst v63  }
0x74: {  	_ =	swait.ge [sflag:s20], $0x2000  }
0x75: {  	s14 =	simm.s32 $0x7400;
	[sflag:s20] =	ssyncset.done $0x0;
	s13 =	rddreg [dreg:$0xd]  }
0x76: {  	p0 =	seq.s32 s9, $0xB600;
	[sflag:s20] =	ssyncadd.s32 $0xFFFFE000;
	s12 =	sadd.s32 s8, s13  }
0x77: {  	[hbm4b:s12+s3] =	stream.linear.scatter [tilespmem:s14], [sflag:$0x10], $0x2000, $0x38;
	[tilespmem:$0x1D400] =	vst v63  }
0x78: {  	s12 =	simm.s32 @!p0 $0xE  }
0x79: {  	_ =	swait.ge @!p0 [sflag:s12], $0x2000  }
0x7a: {  	[sflag:s12] =	ssyncset.done @!p0 $0x0  }
0x7b: {  	[sflag:s12] =	ssyncadd.s32 @!p0 $0xFFFFE000;
	s12 =	sshra.s32 @!p0 s9, $0x2  }
0x7c: {  	s15 =	simm.s32 @!p0 $0x3400;
	s13 =	simm.s32 @!p0 $0x80;
	s14 =	sadd.s32 @!p0 $0x680, s12  }
0x7d: {  	[tilespmem:s15], [sflag:$0x1] =	stream.indirect.gather @!p0 [hbm4b:s4+s13], $0x40, s14, s13, $0xb8;
	[tilespmem:$0x1D400] =	vst v63  }
0x7e: {  	_ =	swait.ge [sflag:s22], $0x2000  }
0x7f: {  	[sflag:s22] =	ssyncset.done $0x0;
	s15 =	rddreg [dreg:$0xc]  }
0x80: {  	s16 =	simm.s32 $0x9400;
	[sflag:s22] =	ssyncadd.s32 $0xFFFFE000;
	s14 =	sadd.s32 s8, s15  }
0x81: {  	[hbm4b:s14+s3] =	stream.linear.scatter [tilespmem:s16], [sflag:$0x11], $0x2000, $0x38;
	[tilespmem:$0x1D400] =	vst v63  }
0x82: {  	s14 =	simm.s32 @!p0 $0xF  }
0x83: {  	_ =	swait.ge @!p0 [sflag:s14], $0x2000  }
0x84: {  	[sflag:s14] =	ssyncset.done @!p0 $0x0  }
0x85: {  	s15 =	simm.s32 @!p0 $0x5400;
	[sflag:s14] =	ssyncadd.s32 @!p0 $0xFFFFE000;
	s14 =	sadd.s32 @!p0 $0x700, s12  }
0x86: {  	[tilespmem:s15], [sflag:$0x2] =	stream.indirect.gather @!p0 [hbm4b:s4+s13], $0x40, s14, s13, $0xb8;
	[tilespmem:$0x1D400] =	vst v63  }
0x87: {  	_ =	swait.ge [sflag:s23], $0x2000  }
0x88: {  	[sflag:s23] =	ssyncset.done $0x0;
	s15 =	rddreg [dreg:$0xb]  }
0x89: {  	s16 =	simm.s32 $0xB400;
	[sflag:s23] =	ssyncadd.s32 $0xFFFFE000;
	s14 =	sadd.s32 s8, s15  }
0x8a: {  	[hbm4b:s14+s3] =	stream.linear.scatter [tilespmem:s16], [sflag:$0x12], $0x2000, $0x38;
	[tilespmem:$0x1D400] =	vst v63  }
0x8b: {  	s14 =	simm.s32 @!p0 $0x10  }
0x8c: {  	_ =	swait.ge @!p0 [sflag:s14], $0x2000  }
0x8d: {  	[sflag:s14] =	ssyncset.done @!p0 $0x0  }
0x8e: {  	s15 =	simm.s32 @!p0 $0x7400;
	[sflag:s14] =	ssyncadd.s32 @!p0 $0xFFFFE000;
	s14 =	sadd.s32 @!p0 $0x780, s12  }
0x8f: {  	[tilespmem:s15], [sflag:$0x3] =	stream.indirect.gather @!p0 [hbm4b:s4+s13], $0x40, s14, s13, $0xb8;
	[tilespmem:$0x1D400] =	vst v63  }
0x90: {  	_ =	swait.ge [sflag:s25], $0x2000  }
0x91: {  	[sflag:s25] =	ssyncset.done $0x0;
	s15 =	rddreg [dreg:$0xa]  }
0x92: {  	s16 =	simm.s32 $0xD400;
	[sflag:s25] =	ssyncadd.s32 $0xFFFFE000;
	s14 =	sadd.s32 s8, s15  }
0x93: {  	[hbm4b:s14+s3] =	stream.linear.scatter [tilespmem:s16], [sflag:$0x13], $0x2000, $0x38;
	[tilespmem:$0x1D400] =	vst v63  }
0x94: {  	s14 =	simm.s32 @!p0 $0x11  }
0x95: {  	_ =	swait.ge @!p0 [sflag:s14], $0x2000  }
0x96: {  	[sflag:s14] =	ssyncset.done @!p0 $0x0  }
0x97: {  	s15 =	simm.s32 @!p0 $0x9400;
	[sflag:s14] =	ssyncadd.s32 @!p0 $0xFFFFE000;
	s14 =	sadd.s32 @!p0 $0x800, s12  }
0x98: {  	[tilespmem:s15], [sflag:$0x4] =	stream.indirect.gather @!p0 [hbm4b:s4+s13], $0x40, s14, s13, $0xb8;
	[tilespmem:$0x1D400] =	vst v63  }
0x99: {  	_ =	swait.ge [sflag:s28], $0x2000  }
0x9a: {  	[sflag:s28] =	ssyncset.done $0x0;
	s15 =	rddreg [dreg:$0x9]  }
0x9b: {  	s16 =	simm.s32 $0xF400;
	[sflag:s28] =	ssyncadd.s32 $0xFFFFE000;
	s14 =	sadd.s32 s8, s15  }
0x9c: {  	[hbm4b:s14+s3] =	stream.linear.scatter [tilespmem:s16], [sflag:$0x14], $0x2000, $0x38;
	[tilespmem:$0x1D400] =	vst v63  }
0x9d: {  	s14 =	simm.s32 @!p0 $0x12  }
0x9e: {  	_ =	swait.ge @!p0 [sflag:s14], $0x2000  }
0x9f: {  	[sflag:s14] =	ssyncset.done @!p0 $0x0  }
0xa0: {  	s15 =	simm.s32 @!p0 $0xB400;
	[sflag:s14] =	ssyncadd.s32 @!p0 $0xFFFFE000;
	s14 =	sadd.s32 @!p0 $0x880, s12  }
0xa1: {  	[tilespmem:s15], [sflag:$0x5] =	stream.indirect.gather @!p0 [hbm4b:s4+s13], $0x40, s14, s13, $0xb8;
	[tilespmem:$0x1D400] =	vst v63  }
0xa2: {  	_ =	swait.ge [sflag:s30], $0x2000  }
0xa3: {  	[sflag:s30] =	ssyncset.done $0x0;
	s15 =	rddreg [dreg:$0x8]  }
0xa4: {  	s16 =	simm.s32 $0x11400;
	[sflag:s30] =	ssyncadd.s32 $0xFFFFE000;
	s14 =	sadd.s32 s8, s15  }
0xa5: {  	[hbm4b:s14+s3] =	stream.linear.scatter [tilespmem:s16], [sflag:$0x15], $0x2000, $0x38;
	[tilespmem:$0x1D400] =	vst v63  }
0xa6: {  	s14 =	simm.s32 @p0 $0x9  }
0xa7: {  	_ =	swait.ge @p0 [sflag:s14], $0x2000  }
0xa8: {  	s15 =	simm.s32 @p0 $0x13400;
	[sflag:s14] =	ssyncset.done @p0 $0x0  }
0xa9: {  	s16 =	rddreg [dreg:$0x5];
	[sflag:s14] =	ssyncadd.s32 @p0 $0xFFFFE000;
	s14 =	simm.s32 @p0 $0x0  }
0xaa: {  	[hbm4b:s16+s14] =	stream.linear.scatter @p0 [tilespmem:s15], [sflag:$0x16], $0x2000, $0x38;
	[tilespmem:$0x1D400] =	vst v63  }
0xab: {  	s14 =	simm.s32 @!p0 $0x13  }
0xac: {  	_ =	swait.ge @!p0 [sflag:s14], $0x2000  }
0xad: {  	[sflag:s14] =	ssyncset.done @!p0 $0x0  }
0xae: {  	s15 =	simm.s32 @!p0 $0xD400;
	[sflag:s14] =	ssyncadd.s32 @!p0 $0xFFFFE000;
	s14 =	sadd.s32 @!p0 $0x900, s12  }
0xaf: {  	[tilespmem:s15], [sflag:$0x6] =	stream.indirect.gather @!p0 [hbm4b:s4+s13], $0x40, s14, s13, $0xb8;
	[tilespmem:$0x1D400] =	vst v63  }
0xb0: {  	s14 =	simm.s32 @!p0 $0x9  }
0xb1: {  	_ =	swait.ge @!p0 [sflag:s14], $0x2000  }
0xb2: {  	[sflag:s14] =	ssyncset.done @!p0 $0x0  }
0xb3: {  	[sflag:s14] =	ssyncadd.s32 @!p0 $0xFFFFE000;
	s14 =	sadd.s32 @!p0 s8, s10  }
0xb4: {  	s16 =	simm.s32 @!p0 $0x13400;
	s15 =	simm.s32 @!p0 $0x0;
	s14 =	sadd.s32 @!p0 $0x2000, s14  }
0xb5: {  	[hbm4b:s14+s15] =	stream.linear.scatter @!p0 [tilespmem:s16], [sflag:$0x16], $0x2000, $0x38;
	[tilespmem:$0x1D400] =	vst v63  }
0xb6: {  	s14 =	simm.s32 @!p0 $0x14  }
0xb7: {  	_ =	swait.ge @!p0 [sflag:s14], $0x2000  }
0xb8: {  	[sflag:s14] =	ssyncset.done @!p0 $0x0  }
0xb9: {  	s15 =	simm.s32 @!p0 $0xF400;
	[sflag:s14] =	ssyncadd.s32 @!p0 $0xFFFFE000;
	s14 =	sadd.s32 @!p0 $0x980, s12  }
0xba: {  	[tilespmem:s15], [sflag:$0x7] =	stream.indirect.gather @!p0 [hbm4b:s4+s13], $0x40, s14, s13, $0xb8;
	[tilespmem:$0x1D400] =	vst v63  }
0xbb: {  	_ =	swait.ge [sflag:s0], $0x2000  }
0xbc: {  	[sflag:s0] =	ssyncset.done $0x0;
	s15 =	rddreg [dreg:$0x7]  }
0xbd: {  	[sflag:s0] =	ssyncadd.s32 $0xFFFFE000;
	s14 =	sadd.s32 s8, s15;
	s15 =	simm.s32 $0x15400  }
0xbe: {  	[hbm4b:s14+s3] =	stream.linear.scatter [tilespmem:s15], [sflag:$0x17], $0x2000, $0x38;
	[tilespmem:$0x1D400] =	vst v63  }
0xbf: {  	s14 =	simm.s32 @!p0 $0x15  }
0xc0: {  	_ =	swait.ge @!p0 [sflag:s14], $0x2000  }
0xc1: {  	[sflag:s14] =	ssyncset.done @!p0 $0x0  }
0xc2: {  	s15 =	simm.s32 @!p0 $0x11400;
	[sflag:s14] =	ssyncadd.s32 @!p0 $0xFFFFE000;
	s14 =	sadd.s32 @!p0 $0xA00, s12  }
0xc3: {  	[tilespmem:s15], [sflag:$0x8] =	stream.indirect.gather @!p0 [hbm4b:s4+s13], $0x40, s14, s13, $0xb8;
	[tilespmem:$0x1D400] =	vst v63  }
0xc4: {  	_ =	swait.ge [sflag:s2], $0x2000  }
0xc5: {  	[sflag:s2] =	ssyncset.done $0x0;
	s15 =	rddreg [dreg:$0x6]  }
0xc6: {  	[sflag:s2] =	ssyncadd.s32 $0xFFFFE000;
	s14 =	sadd.s32 s8, s15  }
0xc7: {  	[hbm4b:s14+s3] =	stream.linear.scatter [tilespmem:s31], [sflag:$0x18], $0x2000, $0x38;
	[tilespmem:$0x1D400] =	vst v63  }
0xc8: {  	s14 =	simm.s32 @!p0 $0x16  }
0xc9: {  	_ =	swait.ge @!p0 [sflag:s14], $0x2000  }
0xca: {  	[sflag:s14] =	ssyncset.done @!p0 $0x0  }
0xcb: {  	[sflag:s14] =	ssyncadd.s32 @!p0 $0xFFFFE000;
	s14 =	sadd.s32 @!p0 $0xA80, s12  }
0xcc: {  	[tilespmem:s16], [sflag:$0x9] =	stream.indirect.gather @!p0 [hbm4b:s4+s13], $0x40, s14, s13, $0xb8;
	[tilespmem:$0x1D400] =	vst v63  }
0xcd: {  	_ =	swait.ge [sflag:s26], $0x2000  }
0xce: {  	[sflag:s26] =	ssyncset.done $0x0  }
0xcf: {  	s15 =	sadd.s32 s8, s19;
	s14 =	simm.s32 @!p0 $0x17;
	[sflag:s26] =	ssyncadd.s32 $0xFFFFE000  }
0xd0: {  	[hbm4b:s15+s3] =	stream.linear.scatter [tilespmem:s29], [sflag:$0x19], $0x2000, $0x38;
	[tilespmem:$0x1D400] =	vst v63  }
0xd1: {  	_ =	swait.ge @!p0 [sflag:s14], $0x2000  }
0xd2: {  	[sflag:s14] =	ssyncset.done @!p0 $0x0  }
0xd3: {  	s12 =	sadd.s32 @!p0 $0xB00, s12;
	[sflag:s14] =	ssyncadd.s32 @!p0 $0xFFFFE000;
	s14 =	simm.s32 @!p0 $0x15400  }
0xd4: {  	[tilespmem:s14], [sflag:$0xA] =	stream.indirect.gather @!p0 [hbm4b:s4+s13], $0x40, s12, s13, $0xb8;
	[tilespmem:$0x1D400] =	vst v63  }
.Ltmp2:
0xd5: {  	_ = 	snop;
	(pc) =	sbr.rel @p0 .LBB2_4-.Ltmp2, $4  }
0xd6: {  	_ =	swait.ge [sflag:s24], $0x2000  }
0xd7: {  	[sflag:s24] =	ssyncset.done $0x0  }
0xd8: {  	s16 =	sadd.s32 s8, s18;
	[sflag:s24] =	ssyncadd.s32 $0xFFFFE000  }
0xd9: {  	[hbm4b:s16+s3] =	stream.linear.scatter [tilespmem:s6], [sflag:$0x1A], $0x2000, $0x38;
	[tilespmem:$0x1D400] =	vst v63  }
.Ltmp3:
0xda: {  	(pc) =	sbr.rel .LBB2_2-.Ltmp3, $4  }
0xdb: {  	_ =	swait.ge [sflag:s7], $0x2000  }
0xdc: {  	s11 =	sadd.s32 $0xB80, s11;
	[sflag:s7] =	ssyncset.done $0x0  }
0xdd: {  	s9 =	sadd.s32 $0x1A00, s9;
	s8 =	sadd.s32 $0x3400, s8;
	[sflag:s7] =	ssyncadd.s32 $0xFFFFE000  }
0xde: {  	[tilespmem:s31], [sflag:$0xB] =	stream.indirect.gather [hbm4b:s4+s21], $0x40, s11, s21, $0xb8;
	[tilespmem:$0x1D400] =	vst v63  }
.LBB2_5:
0xdf: {  	_ =	sfence.sel $0x180000  }
0xe0: {  	[bflag:$0x0] =	sbarrier.arrive $0xFFFF  }
0xe1: {  	_ =	strace $0x90000047  }
0xe2: {  	s0 =	stileid.u32;
	[bflag:$0x2] =	sbarrier.arrive $0xFFFF  }
0xe3: {  	p0 =	sne.s32 s0, $0x0;
	s0 =	rddreg [dreg:$0x2]  }
0xe4: {  	s0 =	sadd.s32 @!p0 $0x100000, s0  }
0xe5: {  	[sflag:s0] =	ssyncadd.tile.s32 @!p0 $0x1;
	_ =	shalt  }
.Lfunc_end2:
_tile_overlayer_lowered:
.L_overlay_start_2:
0xe6: {  	(tag) =	ssettag $0x2  }
0xe7: {  	s0 =	rddreg [dreg:$0x0];
	s2 =	stileid.u32  }
0xe8: {  	s1 =	rddreg [dreg:$0x1];
	p0 =	sne.s32 s2, $0x0  }
0xe9: {  	s3 =	rddreg [dreg:$0x2];
	[bflag:$0x3] =	sbarrier.arrive $0xFFFF;
	s2 =	simm.s32 @!p0 $0x1C1B  }
0xea: {  	[timem:s3], [sflag:s2] =	dma.local @!p0 [hbm:s0], s1  }
0xeb: {  	s0 =	simm.s32 @!p0 $0x1B  }
0xec: {  	_ =	swait.ge @!p0 [sflag:s0], s1  }
0xed: {  	s1 =	ssub.s32 @!p0 $0x0, s1;
	[sflag:s0] =	ssyncset.done @!p0 $0x0  }
0xee: {  	[sflag:s0] =	ssyncadd.s32 @!p0 s1  }
0xef: {  	[bflag:$0x3] =	sbarrier.arrive $0xFFFF  }
0xf0: {  	_ =	shalt  }

// kernel: sparse-core-data-format-call.cloned.1.call-start
scs
called_computation_lowered:
.L_overlay_start_0:
0x0: {  	s2 =	sld [smem:$0x3FD9]  }
0x1: {  	s3 =	sld [smem:$0x3FFE];
	_ =	sdelay $0x1  }
0x2: {  	s1 =	srdreg.scid  }
0x3: {  	s0 =	sand.u32 $0x1, s1  }
0x4: {  	s18 =	sshll.u32 s0, $0xA;
	s2 =	sadd.s32 s3, s2  }
0x5: {  	s2 =	sadd.s32 s2, s18  }
0x6: {  	[smem:$0x3FC6] =	sst s2  }
0x7: {  	_ = 	snop  }
0x8: {  	s2 =	sld [smem:$0x3FD0];
	(tm) =	ssettm $0x1  }
0x9: {  	s19 =	sld [smem:$0x3FFB];
	_ =	sdelay $0x3  }
0xa: {  	_ =	strace s19  }
0xb: {  	s3 =	sld [smem:$0x3FFC];
	_ =	sdelay $0x3  }
0xc: {  	_ =	strace s3  }
0xd: {  	s3 =	sld [smem:$0x3FFD];
	_ =	sdelay $0x3  }
0xe: {  	_ =	strace s3  }
0xf: {  	_ =	strace $0x8FFFFFFF  }
0x10: {  	s20 =	sld [smem:$0x3FDB];
	_ =	sdelay $0x1  }
0x11: {  	s4 =	simm.s32 $_scs_section_size  }
0x12: {  	s5 =	simm.s32 $_size__tile_overlayer_lowered;
	s6 =	simm.s32 $_tile_overlayer_lowered  }
0x13: {  	s23 =	simm.s32 $0x1BFF;
	s22 =	sshll.u32 s6, $0x1;
	s3 =	sadd.s32 s4, s20  }
0x14: {  	s7 =	simm.s32 $0x0;
	s21 =	sshll.u32 s5, $0x1;
	s5 =	sadd.s32 s22, s3  }
0x15: {  	[timem:s7], [sflag:s23] =	dma.local [hbm:s5], s21  }
0x16: {  	_ =	swait.ge [sflag:s23], s21  }
0x17: {  	s4 =	ssub.s32 $0x0, s21;
	[sflag:s23] =	ssyncset.done $0x0  }
0x18: {  	[sflag:s23] =	ssyncadd.s32 s4;
	_ =	sdelay $0x1  }
0x19: {  	s24 =	simm.s32 $0x1B8B  }
0x1a: {  	_ =	swait.ge [sflag:s24], $0x1  }
0x1b: {  	[sflag:s24] =	ssyncset.done $0x0  }
0x1c: {  	s26 =	simm.s32 $0x1B8E;
	s25 =	sld [smem:$0x3FFE];
	[sflag:s24] =	ssyncadd.s32 $0xFFFFFFFF  }
0x1d: {  	s27 =	simm.s32 $execute0_lowered;
	[smem:$0x3FD2] =	sst s26  }
0x1e: {  	s5 =	sshll.u32 s27, $0x1;
	_ =	strace $0x80000049;
	[dreg:$0x1] =	wrdreg $0xFFFFFFFF  }
0x1f: {  	s28 =	simm.s32 $_size_execute0_lowered;
	s3 =	sadd.s32 s3, s5;
	[dreg:$0x0] =	wrdreg $0x0  }
0x20: {  	s5 =	sshll.u32 s28, $0x1;
	[dreg:$0x2] =	wrdreg s3  }
0x21: {  	[dreg:$0x3] =	wrdreg s5  }
0x22: {  	[dreg:$0x4] =	wrdreg $0xC0  }
0x23: {  	_ =	task [dreg:s7], $0x5FFFF  }
0x24: {  	[dreg:$0x1] =	wrdreg $0xFFFFFFFF  }
0x25: {  	[dreg:$0x0] =	wrdreg $0x60  }
0x26: {  	[dreg:$0x2] =	wrdreg s25  }
0x27: {  	[dreg:$0x3] =	wrdreg s2  }
0x28: {  	[dreg:$0x4] =	wrdreg $0x9  }
0x29: {  	_ =	task.clear_ibuf [dreg:s7], $0x5FFFF;
	_ =	strace $0x90000049  }
0x2a: {  	s29 =	simm.s32 $0x9;
	_ =	strace $0x8000004B  }
0x2b: {  	_ =	swait.ge [sflag:s29], $0x1  }
0x2c: {  	[sflag:s29] =	ssyncadd.s32 $0xFFFFFFFF  }
0x2d: {  	_ =	strace $0x9000004B  }
0x2e: {  	_ =	sfence  }
0x2f: {  	s30 =	sld [smem:$0x0];
	_ =	sdelay $0x2  }
0x30: {  	s31 =	sshll.u32 s1, $0xD;
	s1 =	sshrl.u32 s1, $0x2  }
0x31: {  	s3 =	sand.u32 $0x4000, s31;
	s1 =	sadd.s32 s1, s30  }
0x32: {  	s0 =	sor.u32 s3, s0;
	s1 =	sshll.u32 s1, $0x11  }
0x33: {  	s0 =	sor.u32 s1, s0  }
0x34: {  	s0 =	sadd.s32 $0x8F2B, s0  }
0x35: {  	[sflag:s0] =	ssyncadd.remote.s32 $0x1  }
0x36: {  	_ =	sfence.sel $0xFFFF  }
0x37: {  	[dreg:$0x0] =	wrdreg $0xFFFFFFFF;
	(pc) =	sbr.abs _section_cstart, $3  }
0x38: {  	[dreg:$0x1] =	wrdreg $0xFFFFFFFF  }
0x39: {  	_ =	task.clear_ibuf [dreg:s7], $0x2FFFF;
	_ =	strace $0x9FFFFFFF  }
0x3a: {  	(tm) =	ssettm $0x7FFFFFFF  }
0x3b: {  	_ =	shalt  }
tec
execute0_lowered:
.L_overlay_start_1:
0x0: {  	(tag) =	ssettag $0x1  }
0x1: {  	s0 =	srdreg.scid  }
0x2: {  	s1 =	sshll.u32 s0, $0x4  }
0x3: {  	s0 =	stileid.u32;
	s1 =	sand.u32 $0x10, s1  }
0x4: {  	s1 =	sor.u32 s0, s1  }
0x5: {  	s6 =	rddreg [dreg:$0x0];
	s4 =	simm.s32 $0x1;
	s2 =	sshll.u32 s1, $0x7  }
0x6: {  	s7 =	simm.s32 $0x2;
	s12 =	simm.s32 $0x0;
	s1 =	ssub.s32 $0x4000, s2  }
0x7: {  	s8 =	simm.s32 $0x20000;
	s13 =	simm.s32 $0x0;
	s3 =	sand.u32 $0xF80, s1  }
0x8: {  	s9 =	simm.s32 $0x0;
	s5 =	sshrl.u32 s1, $0xC;
	p0 =	sne.s32 s3, $0x0  }
.Ltmp0:
0x9: {  	s1 =	rddreg [dreg:$0x2];
	s4 =	simm.s32 @!p0 $0x0;
	(pc) =	sbr.rel .LBB1_1-.Ltmp0, $4  }
0xa: {  	s11 =	simm.s32 $0x0;
	s3 =	rddreg [dreg:$0x1];
	s5 =	sadd.s32 s4, s5  }
0xb: {  	_ =	strace $0x8000004A;
	s4 =	simm.s32 $0x1;
	s5 =	smul.u32 $0x1A, s5  }
0xc: {  	s6 =	sadd.s32 $0xA00, s6;
	s10 =	smov.u32 s2;
	[sflag:s4] =	ssyncpa.u1 $0x0  }
0xd: {  	p0 =	por $0x0, $0x0;
	[sflag:s7] =	ssyncpa.u1 $0x0;
	s7 =	sor.u32 $0x1, s5  }
.LBB1_4:
0xe: {  	s16 =	sshll.u32 s13, $0x3;
	s17 =	sand.u32 $0x78, s13  }
0xf: {  	s30 =	sand.u32 $0x1F800, s13;
	s12 =	sshll.u32 s12, $0x11;
	s16 =	sand.u32 $0x3C00, s16  }
0x10: {  	[tilespmem:s15+$0x810 ss:$0x81] =	vst.msk $0xffff, v2;
	s31 =	sand.u32 $0x7, s13;
	s16 =	sor.u32 s17, s16;
	s17 =	sadd.s32 s3, s30  }
0x11: {  	[tilespmem:s15+$0x1020 ss:$0x81] =	vst.msk $0xffff, v0;
	s13 =	sshll.u32 s31, $0x12;
	s12 =	sadd.s32 s12, s17;
	s16 =	sshrl.u32 s16, $0x3  }
0x12: {  	[tilespmem:s15+$0x0 ss:$0x81] =	vst.msk $0xffff, v1;
	s13 =	sor.u32 $0x400, s13;
	s12 =	sadd.s32 s16, s12  }
0x13: {  	[hbm4b:s12+s13] =	stream.strided.scatter [tilespmem:s14], [sflag:$0x2], $0x2000, s8, s13, $0x20;
	[tilespmem:$0x8080] =	vst v63  }
.LBB1_5:
0x14: {  	s14 =	sadd.s32 $0x1, s9  }
0x15: {  	s12 =	sadd.s32 $0x1000, s10;
	s16 =	smov.u32 s10;
	p2 =	sgt.s32 s14, $0x19  }
0x16: {  	s16 =	smov.u32 @p2 s12  }
0x17: {  	s14 =	simm.s32 @p2 $0x0;
	p2 =	sgt.s32 s16, $0x3FFF  }
0x18: {  	s16 =	smov.u32 @p2 s2;
	p2 =	sne.s32 s11, s7  }
.Ltmp1:
0x19: {  	p1 =	slt.u32 s11, $0x2;
	(pc) =	sbr.rel @!p2 .LBB1_6-.Ltmp1, $4  }
0x1a: {  	s15 =	simm.s32 @!p1 $0x2  }
0x1b: {  	s13 =	smov.u32 s10;
	p0 =	por !p0, !p0;
	_ =	swait.ge @!p1 [sflag:s15], $0x2000  }
0x1c: {  	s12 =	smov.u32 s9;
	[sflag:s15] =	ssyncset.done @!p1 $0x0;
	s9 =	smov.u32 s14  }
0x1d: {  	s11 =	sadd.s32 $0x1, s11;
	[sflag:s15] =	ssyncadd.s32 @!p1 $0xFFFFE000;
	s10 =	smov.u32 s16  }
.LBB1_1:
0x1e: {  	p1 =	sge.u32 s11, s5  }
0x1f: {  	s31 =	sadd.s32 $0xFFFFFFFF, s11;
	s14 =	sxor.u32 @!p1 $0xFFFFFFFF, s11  }
0x20: {  	s15 =	sshll.u32 @!p1 s10, $0x9;
	s16 =	sshll.u32 @!p1 s9, $0x4;
	s17 =	simm.s32 @!p1 $0x1000  }
0x21: {  	s14 =	sshll.u32 @!p1 s14, $0xD;
	s16 =	sand.u32 @!p1 $0x1F0, s16;
	s15 =	sadd.s32 @!p1 s6, s15  }
0x22: {  	s14 =	sand.u32 @!p1 $0x2000, s14;
	s15 =	sadd.s32 @!p1 s16, s15;
	s16 =	simm.s32 @!p1 $0x40  }
0x23: {  	[tilespmem:s14], [sflag:$0x1] =	stream.strided.gather @!p1 [hbm4b:s15+s16], $0x2000, s17, s16, $0x38;
	[tilespmem:$0x8080] =	vst v63  }
0x24: {  	p1 =	sge.u32 s31, s5  }
.Ltmp2:
0x25: {  	_ = 	snop;
	(pc) =	sbr.rel @p1 .LBB1_5-.Ltmp2, $1  }
0x26: {  	_ =	sdelay $0x3  }
0x27: {  	s14 =	simm.s32 $0x1  }
0x28: {  	_ =	swait.ge [sflag:s4], $0x2000;
	s14 =	simm.s32 @!p0 $0x0  }
0x29: {  	[sflag:s4] =	ssyncset.done $0x0;
	s15 =	sshll.u32 s14, $0xD  }
0x2a: {  	[sflag:s4] =	ssyncadd.s32 $0xFFFFE000;
	s18 =	sor.u32 $0x20, s15  }
0x2b: {  	s14 =	smul.u32 $0x8100, s14;
	v3 =	vld [tilespmem:s18+$0x10]  }
0x2c: {  	s30 =	sand.u32 $0x1, s11;
	v2 =	vld [tilespmem:s18+$0xFFFFFFF0]  }
0x2d: {  	s15 =	smul.u32 $0x8100, s30;
	s14 =	sshrl.u32 s14, $0x2;
	v0 =	vld [tilespmem:s18+$0x0]  }
0x2e: {  	v1 =	vld [tilespmem:s18+$0xFFFFFFE0];
	s16 =	sor.u32 $0x4000, s14  }
0x2f: {  	s31 =	sshrl.u32 s15, $0x2;
	s15 =	sadd.s32 $0x0, s16  }
0x30: {  	s17 =	simm.s32 $0x4;
	s18 =	sadd.s32 $0x40, s18;
	s14 =	sor.u32 $0x4000, s31;
	[tilespmem:s15+$0x1830 ss:$0x81] =	vst.msk $0xffff, v3  }
.LBB1_3:
0x31: {  	v3 =	vld [tilespmem:s18+$0x10];
	p1 =	sne.s32 s17, $0x1FC;
	[tilespmem:s15+$0x810 ss:$0x81] =	vst.msk $0xffff, v2;
	s19 =	smov.u32 s17;
	s17 =	sadd.s32 $0x4, s17  }
.Ltmp3:
0x32: {  	v2 =	vld [tilespmem:s18+$0xFFFFFFF0];
	[tilespmem:s15+$0x1020 ss:$0x81] =	vst.msk $0xffff, v0;
	(pc) =	sbr.rel @p1 .LBB1_3-.Ltmp3, $4  }
0x33: {  	v0 =	vld [tilespmem:s18+$0x0];
	[tilespmem:s15+$0x0 ss:$0x81] =	vst.msk $0xffff, v1  }
0x34: {  	s15 =	sshra.s32 s19, $0x2;
	v1 =	vld [tilespmem:s18+$0xFFFFFFE0]  }
0x35: {  	s15 =	sadd.s32 s15, s16  }
0x36: {  	s18 =	sadd.s32 $0x40, s18;
	[tilespmem:s15+$0x1830 ss:$0x81] =	vst.msk $0xffff, v3  }
.Ltmp4:
0x37: {  	_ = 	snop;
	(pc) =	sbr.rel .LBB1_4-.Ltmp4, $1  }
0x38: {  	_ =	sdelay $0x3  }
.LBB1_6:
0x39: {  	_ =	sfence.sel $0x180000  }
0x3a: {  	s2 =	simm.s32 $0x1;
	[bflag:$0x0] =	sbarrier.arrive $0xFFFF  }
0x3b: {  	s31 =	simm.s32 $0x2;
	[sflag:s2] =	ssyncpa.u1 $0x1  }
0x3c: {  	[sflag:s31] =	ssyncpa.u1 $0x1  }
0x3d: {  	p0 =	sne.s32 s0, $0x0;
	_ =	strace $0x9000004A  }
0x3e: {  	s0 =	sadd.s32 @!p0 $0x100000, s1;
	[bflag:$0x2] =	sbarrier.arrive $0xFFFF  }
0x3f: {  	[sflag:s0] =	ssyncadd.tile.s32 @!p0 $0x1;
	_ =	shalt  }
.Lfunc_end1:
_tile_overlayer_lowered:
.L_overlay_start_2:
0x40: {  	(tag) =	ssettag $0x2  }
0x41: {  	s0 =	rddreg [dreg:$0x0];
	s2 =	stileid.u32  }
0x42: {  	s1 =	rddreg [dreg:$0x1];
	p0 =	sne.s32 s2, $0x0  }
0x43: {  	s3 =	rddreg [dreg:$0x2];
	[bflag:$0x3] =	sbarrier.arrive $0xFFFF;
	s2 =	simm.s32 @!p0 $0x1C01  }
0x44: {  	[timem:s3], [sflag:s2] =	dma.local @!p0 [hbm:s0], s1  }
0x45: {  	s0 =	simm.s32 @!p0 $0x1  }
0x46: {  	_ =	swait.ge @!p0 [sflag:s0], s1  }
0x47: {  	s1 =	ssub.s32 @!p0 $0x0, s1;
	[sflag:s0] =	ssyncset.done @!p0 $0x0  }
0x48: {  	[sflag:s0] =	ssyncadd.s32 @!p0 s1  }
0x49: {  	[bflag:$0x3] =	sbarrier.arrive $0xFFFF  }
0x4a: {  	_ =	shalt  }

</sc_bundles>
